<compile_context>
chip_gen: v7x
topology: tpu7x:2x2x1
jax: 0.10.2.dev20260603
libtpu: 0.0.44.dev20260713+nightly
codegen_flags: <defaults>
</compile_context>

<pallas_src>
import jax
import jax.numpy as jnp
from jax import lax
from jax.experimental import pallas as pl
from jax.experimental.pallas import tpu as pltpu
from jax.experimental.pallas import tpu_sc as plsc

N = 10000
E = 320000
D_IN = 128
D_HID = 64
D_OUT = 40

NC = 2
NS = 16
NW = NC * NS
NPAD = 10112
ROWS_PER_TILE = NPAD // NS

EPW = E // NW
VB = EPW // 16

_f32 = jnp.float32


def _sc_mesh():
    return plsc.VectorSubcoreMesh(core_axis_name="c", subcore_axis_name="s")


def _deg_body(dst_hbm, out_hbm, dst_v, deg_v):
    c = lax.axis_index("c")
    s = lax.axis_index("s")
    wid = s * NC + c
    pltpu.sync_copy(dst_hbm.at[pl.ds(wid * EPW, EPW)], dst_v)

    def zero_body(i, carry):
        deg_v[pl.ds(i * 16, 16)] = jnp.zeros((16,), _f32)
        return carry

    lax.fori_loop(0, EPW // 16, zero_body, 0)

    ones = jnp.full((16,), 1.0, _f32)

    def acc_body(i, carry):
        idx = dst_v[pl.ds(i * 16, 16)]
        plsc.addupdate_scatter(deg_v, [idx], ones)
        return carry

    lax.fori_loop(0, VB, acc_body, 0)
    pltpu.sync_copy(deg_v, out_hbm.at[wid])


_deg_kernel = pl.kernel(
    _deg_body,
    out_type=jax.ShapeDtypeStruct((NW, EPW), _f32),
    mesh=_sc_mesh(),
    compiler_params=pltpu.CompilerParams(needs_layout_passes=False),
    scratch_types=[
        pltpu.VMEM((EPW,), jnp.int32),
        pltpu.VMEM((EPW,), _f32),
    ],
)


CHUNK = 256
NCHUNKS = 1280
N0 = 72
N1 = 8
NMAX = max(N0, N1)
NCHUNKS_ALLOC = 16 * N0 + 15 * N1 + NMAX
EPAD = max(NCHUNKS_ALLOC, NCHUNKS) * CHUNK


def _make_agg(d):
    def body(z_hbm, src_hbm, dst_hbm, out_hbm, src_v, dst_v,
             rows_a, rows_b, acc, sem_a, sem_b, sem_sa, sem_sb):
        c = lax.axis_index("c")
        s = lax.axis_index("s")
        row0 = s * ROWS_PER_TILE
        n_my = lax.select(c == 0, N0, N1)
        start = lax.select(c == 0, s * N0, 16 * N0 + s * N1)
        pltpu.sync_copy(src_hbm.at[pl.ds(start, NMAX)], src_v)
        pltpu.sync_copy(dst_hbm.at[pl.ds(start, NMAX)], dst_v)
        pltpu.sync_copy(z_hbm.at[pl.ds(row0, ROWS_PER_TILE)],
                        acc.at[pl.ds(row0, ROWS_PER_TILE)])
        plsc.subcore_barrier()

        pltpu.async_copy(z_hbm.at[src_v.at[0]], rows_a, sem_a)
        pltpu.async_copy(z_hbm.at[src_v.at[1]], rows_b, sem_b)

        def step(i, carry):
            j = 2 * i
            pltpu.make_async_copy(z_hbm.at[src_v.at[j]], rows_a, sem_a).wait()
            pltpu.async_copy(rows_a, acc.at[dst_v.at[j]], sem_sa, add=True)
            pltpu.make_async_copy(z_hbm.at[src_v.at[j + 1]], rows_b, sem_b).wait()
            pltpu.async_copy(rows_b, acc.at[dst_v.at[j + 1]], sem_sb, add=True)

            @pl.when(j + 2 < n_my)
            def _():
                pltpu.make_async_copy(rows_a, acc.at[dst_v.at[j]], sem_sa).wait()
                pltpu.async_copy(z_hbm.at[src_v.at[j + 2]], rows_a, sem_a)
                pltpu.make_async_copy(rows_b, acc.at[dst_v.at[j + 1]], sem_sb).wait()
                pltpu.async_copy(z_hbm.at[src_v.at[j + 3]], rows_b, sem_b)

            return carry

        lax.fori_loop(0, n_my // 2, step, 0)
        pltpu.make_async_copy(rows_a, acc.at[dst_v.at[0]], sem_sa).wait()
        pltpu.make_async_copy(rows_b, acc.at[dst_v.at[0]], sem_sb).wait()
        plsc.subcore_barrier()
        pltpu.sync_copy(acc.at[pl.ds(row0, ROWS_PER_TILE)],
                        out_hbm.at[c, pl.ds(row0, ROWS_PER_TILE)])

    return pl.kernel(
        body,
        out_type=jax.ShapeDtypeStruct((NC, NPAD, d), _f32),
        mesh=_sc_mesh(),
        compiler_params=pltpu.CompilerParams(use_tc_tiling_on_sc=False),
        scratch_types=[
            pltpu.VMEM((NMAX, CHUNK), jnp.int32),
            pltpu.VMEM((NMAX, CHUNK), jnp.int32),
            pltpu.VMEM((CHUNK, d), _f32),
            pltpu.VMEM((CHUNK, d), _f32),
            pltpu.VMEM_SHARED((NPAD, d), _f32),
            pltpu.SemaphoreType.DMA,
            pltpu.SemaphoreType.DMA,
            pltpu.SemaphoreType.DMA,
            pltpu.SemaphoreType.DMA,
        ],
    )


_agg_hid = _make_agg(D_HID)
_agg_out = _make_agg(D_OUT)


def _tc_a_body(deg_ref, x_ref, w_ref, z_ref, dinv_ref):
    deg_parts = deg_ref[...]
    ones = jnp.ones((NW, 1), _f32)
    deg = lax.dot_general(deg_parts, ones, (((0,), (0,)), ((), ())),
                          preferred_element_type=_f32)
    dinv = lax.rsqrt(deg + 1.0)
    dinv_pad = jnp.concatenate(
        [dinv, jnp.zeros((NPAD - N, 1), _f32)], axis=0)
    z = jnp.dot(x_ref[...], w_ref[...], preferred_element_type=_f32)
    z_ref[...] = z * dinv_pad
    dinv_ref[...] = dinv_pad


_tc_a = pl.pallas_call(
    _tc_a_body,
    out_shape=[
        jax.ShapeDtypeStruct((NPAD, D_HID), _f32),
        jax.ShapeDtypeStruct((NPAD, 1), _f32),
    ],
)


def _tc_b_body(p_ref, z1_ref, dinv_ref, b1_ref, w2_ref, z2_ref):
    agg = p_ref[0] + p_ref[1] - z1_ref[...]
    dinv = dinv_ref[...]
    h = jnp.maximum(dinv * agg + b1_ref[...], 0.0)
    z2 = jnp.dot(h, w2_ref[...], preferred_element_type=_f32)
    z2_ref[...] = z2 * dinv


_tc_b = pl.pallas_call(
    _tc_b_body,
    out_shape=jax.ShapeDtypeStruct((NPAD, D_OUT), _f32),
)


def _tc_c_body(q_ref, z2_ref, dinv_ref, b2_ref, out_ref):
    agg = q_ref[0] + q_ref[1] - z2_ref[...]
    o = dinv_ref[...] * agg + b2_ref[...]
    m = jnp.max(o, axis=1, keepdims=True)
    sh = o - m
    lse = jnp.log(jnp.sum(jnp.exp(sh), axis=1, keepdims=True))
    out_ref[...] = sh - lse


_tc_c = pl.pallas_call(
    _tc_c_body,
    out_shape=jax.ShapeDtypeStruct((NPAD, D_OUT), _f32),
)


def kernel(x, edge_index, W1, b1, W2, b2):
    src = edge_index[0]
    dst = edge_index[1]

    deg_parts = _deg_kernel(dst)

    x_pad = jnp.concatenate(
        [x, jnp.zeros((NPAD - N, D_IN), _f32)], axis=0)
    z1, dinv = _tc_a(deg_parts, x_pad, W1)

    pad_idx = jnp.full((EPAD - E,), N, jnp.int32)
    src_p = jnp.concatenate([src, pad_idx]).reshape(-1, CHUNK)
    dst_p = jnp.concatenate([dst, pad_idx]).reshape(-1, CHUNK)

    p = _agg_hid(z1, src_p, dst_p)
    z2 = _tc_b(p, z1, dinv, b1.reshape(1, D_HID), W2)
    q = _agg_out(z2, src_p, dst_p)
    out = _tc_c(q, z2, dinv, b2.reshape(1, D_OUT))
    return out[:N]

# --- scband reference (transcript-rebuilt; emitter-appended) ---
"""Pipeline reference for scband-net-orig-28930899705994 (READ-ONLY COPY).

The authoritative reference and input builder live on the scoring server;
editing this copy changes nothing except your own understanding.
"""

import jax, jax.numpy as jnp
import numpy as np

N_NODES = 10000
N_EDGES = 320000
D_IN = 128
D_HID = 64
D_OUT = 40


def gcn_conv(x, edge_index, W, b):
    # GCNConv: out = D^{-1/2} (A + I) D^{-1/2} X W + b
    n = x.shape[0]
    loops = jnp.arange(n, dtype=edge_index.dtype)
    src = jnp.concatenate([edge_index[0], loops])
    dst = jnp.concatenate([edge_index[1], loops])
    deg = jax.ops.segment_sum(jnp.ones(src.shape[0], dtype=x.dtype), dst, num_segments=n)
    dinv = jnp.where(deg > 0, jax.lax.rsqrt(jnp.maximum(deg, 1e-12)), 0.0)
    norm = dinv[src] * dinv[dst]
    h = x @ W
    msg = jnp.take(h, src, axis=0) * norm[:, None]
    out = jax.ops.segment_sum(msg, dst, num_segments=n)
    return out + b


def setup_inputs(seed: int = 0):
    key = jax.random.key(seed)
    k1, k2, k3, k4, k5, k6 = jax.random.split(key, 6)
    x = jax.random.normal(k1, (N_NODES, D_IN), dtype=jnp.float32)
    edge_index = jax.random.randint(k2, (2, N_EDGES), 0, N_NODES, dtype=jnp.int32)
    W1 = jax.random.normal(k3, (D_IN, D_HID), dtype=jnp.float32) * (1.0 / np.sqrt(D_IN))
    b1 = jnp.zeros((D_HID,), dtype=jnp.float32)
    W2 = jax.random.normal(k4, (D_HID, D_OUT), dtype=jnp.float32) * (1.0 / np.sqrt(D_HID))
    b2 = jnp.zeros((D_OUT,), dtype=jnp.float32)
    return {"x": x, "edge_index": edge_index, "W1": W1, "b1": b1, "W2": W2, "b2": b2}


def reference(x, edge_index, W1, b1, W2, b2):
    # eval mode: dropout is identity
    h = jax.nn.relu(gcn_conv(x, edge_index, W1, b1))
    out = gcn_conv(h, edge_index, W2, b2)
    return jax.nn.log_softmax(out, axis=1)

if __name__ == "__main__":
    import jax
    _d = setup_inputs()
    print(jax.jit(kernel)(*tuple(_d.values())))

</pallas_src>

<mosaic_0001>
#map = affine_map<(d0, d1) -> (0)>
#map1 = affine_map<(d0, d1) -> (0, 0)>
module attributes {stable_mosaic.version = 14 : i64} {
  func.func @_deg_body(%arg0: i32, %arg1: i32, %arg2: memref<320000xi32, #tpu.memory_space<hbm>>, %arg3: memref<32x10000xf32, #tpu.memory_space<hbm>>, %arg4: memref<10000xi32, #tpu.memory_space<vmem>>, %arg5: memref<10000xf32, #tpu.memory_space<vmem>>) attributes {dimension_semantics = [#tpu.dimension_semantics<core_parallel>, #tpu.dimension_semantics<subcore_parallel>], iteration_bounds = array<i64: 2, 16>, scalar_prefetch = 0 : i64, scratch_operands = 2 : i64, tpu.core_type = #tpu.core_type<sc_vector_subcore>, window_params = [{transform_indices = #map}, {transform_indices = #map1}]} {
    %mul3A = arith.constant 2 : i32
    %mul3A_0 = arith.muli %arg1, %mul3A : i32
    %add3A = arith.addi %mul3A_0, %arg0 : i32
    %mul3A_1 = arith.constant 10000 : i32
    %mul3A_2 = arith.muli %add3A, %mul3A_1 : i32
    "tpu.region"() ({
      %run_scoped3A = tpu.sem_alloc : memref<!tpu.dma_semaphore, #tpu.memory_space<semaphore_mem>>
      %dma_start3A = tpu.memref_slice %arg2[%mul3A_2] : memref<320000xi32, #tpu.memory_space<hbm>> -> memref<10000xi32, #tpu.memory_space<hbm>>
      %dma_start3A_15 = tpu.memref_slice %arg2[%mul3A_2] : memref<320000xi32, #tpu.memory_space<hbm>> -> memref<10000xi32, #tpu.memory_space<hbm>>
      tpu.enqueue_dma source(%dma_start3A_15 : memref<10000xi32, #tpu.memory_space<hbm>>) target(%arg4 : memref<10000xi32, #tpu.memory_space<vmem>>) target_semaphore(%run_scoped3A : memref<!tpu.dma_semaphore, #tpu.memory_space<semaphore_mem>>)
      %dma_wait3A = tpu.memref_slice %arg2[%mul3A_2] : memref<320000xi32, #tpu.memory_space<hbm>> -> memref<10000xi32, #tpu.memory_space<hbm>>
      %dma_wait3A_16 = tpu.memref_slice %arg2[%mul3A_2] : memref<320000xi32, #tpu.memory_space<hbm>> -> memref<10000xi32, #tpu.memory_space<hbm>>
      tpu.wait_dma2 semaphore(%run_scoped3A : memref<!tpu.dma_semaphore, #tpu.memory_space<semaphore_mem>>) src(%dma_wait3A_16 : memref<10000xi32, #tpu.memory_space<hbm>>) dst(%arg4 : memref<10000xi32, #tpu.memory_space<vmem>>)
      tpu.yield
    }) : () -> ()
    %scan3A = arith.constant 0 : i32
    %scan3A_3 = arith.constant 0 : i32
    %scan3A_4 = arith.constant 625 : i32
    %scan3A_5 = arith.addi %scan3A_3, %scan3A_4 : i32
    %scan3A_6 = arith.constant 1 : i32
    scf.for %scan3A_15 = %scan3A_3 to %scan3A_5 step %scan3A_6  : i32 {
      %broadcast_in_dim3A_16 = arith.constant 0.000000e+00 : f32
      %broadcast_in_dim3A_17 = vector.broadcast %broadcast_in_dim3A_16 : f32 to vector<16xf32>
      %mul3A_18 = arith.constant 16 : i32
      %mul3A_19 = arith.muli %scan3A_15, %mul3A_18 : i32
      %swap3A = arith.index_cast %mul3A_19 : i32 to index
      %swap3A_20 = tpu.vector_load %arg5[%swap3A] {strides = array<i32>} : memref<10000xf32, #tpu.memory_space<vmem>>, vector<16xf32>,
      tpu.vector_store %arg5[%swap3A], %broadcast_in_dim3A_17 {strides = array<i32>} : memref<10000xf32, #tpu.memory_space<vmem>>, vector<16xf32>,
    }
    %scan3A_7 = arith.constant 625 : i32
    %broadcast_in_dim3A = arith.constant 1.000000e+00 : f32
    %broadcast_in_dim3A_8 = vector.broadcast %broadcast_in_dim3A : f32 to vector<16xf32>
    %scan3A_9 = arith.constant 0 : i32
    %scan3A_10 = arith.constant 0 : i32
    %scan3A_11 = arith.constant 625 : i32
    %scan3A_12 = arith.addi %scan3A_10, %scan3A_11 : i32
    %scan3A_13 = arith.constant 1 : i32
    scf.for %scan3A_15 = %scan3A_10 to %scan3A_12 step %scan3A_13  : i32 {
      %mul3A_16 = arith.constant 16 : i32
      %mul3A_17 = arith.muli %scan3A_15, %mul3A_16 : i32
      %get3A = arith.index_cast %mul3A_17 : i32 to index
      %get3A_18 = tpu.vector_load %arg4[%get3A] {strides = array<i32>} : memref<10000xi32, #tpu.memory_space<vmem>>, vector<16xi32>,
      tpu.vector_store_idx %arg5[%get3A_18], %broadcast_in_dim3A_8 {add = true} : memref<10000xf32, #tpu.memory_space<vmem>>[vector<16xi32>], vector<16xf32>,
    }
    %scan3A_14 = arith.constant 625 : i32
    "tpu.region"() ({
      %run_scoped3A = tpu.sem_alloc : memref<!tpu.dma_semaphore, #tpu.memory_space<semaphore_mem>>
      %dma_start3A = arith.constant 0 : i32
      %dma_start3A_15 = tpu.memref_slice %arg3[%add3A, %dma_start3A] : memref<32x10000xf32, #tpu.memory_space<hbm>> -> memref<1x10000xf32, #tpu.memory_space<hbm>>
      %dma_start3A_16 = tpu.memref_squeeze %dma_start3A_15 : memref<1x10000xf32, #tpu.memory_space<hbm>> -> memref<10000xf32, #tpu.memory_space<hbm>>
      %dma_start3A_17 = arith.constant 0 : i32
      %dma_start3A_18 = tpu.memref_slice %arg3[%add3A, %dma_start3A_17] : memref<32x10000xf32, #tpu.memory_space<hbm>> -> memref<1x10000xf32, #tpu.memory_space<hbm>>
      %dma_start3A_19 = tpu.memref_squeeze %dma_start3A_18 : memref<1x10000xf32, #tpu.memory_space<hbm>> -> memref<10000xf32, #tpu.memory_space<hbm>>
      tpu.enqueue_dma source(%arg5 : memref<10000xf32, #tpu.memory_space<vmem>>) target(%dma_start3A_19 : memref<10000xf32, #tpu.memory_space<hbm>>) target_semaphore(%run_scoped3A : memref<!tpu.dma_semaphore, #tpu.memory_space<semaphore_mem>>)
      %dma_wait3A = arith.constant 0 : i32
      %dma_wait3A_20 = tpu.memref_slice %arg3[%add3A, %dma_wait3A] : memref<32x10000xf32, #tpu.memory_space<hbm>> -> memref<1x10000xf32, #tpu.memory_space<hbm>>
      %dma_wait3A_21 = tpu.memref_squeeze %dma_wait3A_20 : memref<1x10000xf32, #tpu.memory_space<hbm>> -> memref<10000xf32, #tpu.memory_space<hbm>>
      %dma_wait3A_22 = arith.constant 0 : i32
      %dma_wait3A_23 = tpu.memref_slice %arg3[%add3A, %dma_wait3A_22] : memref<32x10000xf32, #tpu.memory_space<hbm>> -> memref<1x10000xf32, #tpu.memory_space<hbm>>
      %dma_wait3A_24 = tpu.memref_squeeze %dma_wait3A_23 : memref<1x10000xf32, #tpu.memory_space<hbm>> -> memref<10000xf32, #tpu.memory_space<hbm>>
      tpu.wait_dma2 semaphore(%run_scoped3A : memref<!tpu.dma_semaphore, #tpu.memory_space<semaphore_mem>>) src(%arg5 : memref<10000xf32, #tpu.memory_space<vmem>>) dst(%dma_wait3A_24 : memref<10000xf32, #tpu.memory_space<hbm>>)
      tpu.yield
    }) : () -> ()
    return
  }
}

#map = affine_map<(d0, d1) -> (0, 0)>
#map1 = affine_map<(d0, d1) -> (0, 0, 0)>
module attributes {stable_mosaic.version = 14 : i64} {
  func.func @body(%arg0: i32, %arg1: i32, %arg2: memref<10112x40xf32, #tpu.memory_space<hbm>>, %arg3: memref<1344x256xi32, #tpu.memory_space<hbm>>, %arg4: memref<1344x256xi32, #tpu.memory_space<hbm>>, %arg5: memref<2x10112x40xf32, #tpu.memory_space<hbm>>, %arg6: memref<72x256xi32, #tpu.memory_space<vmem>>, %arg7: memref<72x256xi32, #tpu.memory_space<vmem>>, %arg8: memref<256x40xf32, #tpu.memory_space<vmem>>, %arg9: memref<256x40xf32, #tpu.memory_space<vmem>>, %arg10: memref<10112x40xf32, #tpu.memory_space<vmem_shared>>, %arg11: memref<!tpu.dma_semaphore, #tpu.memory_space<semaphore_mem>>, %arg12: memref<!tpu.dma_semaphore, #tpu.memory_space<semaphore_mem>>, %arg13: memref<!tpu.dma_semaphore, #tpu.memory_space<semaphore_mem>>, %arg14: memref<!tpu.dma_semaphore, #tpu.memory_space<semaphore_mem>>) attributes {dimension_semantics = [#tpu.dimension_semantics<core_parallel>, #tpu.dimension_semantics<subcore_parallel>], iteration_bounds = array<i64: 2, 16>, scalar_prefetch = 0 : i64, scratch_operands = 9 : i64, tpu.core_type = #tpu.core_type<sc_vector_subcore>, window_params = [{transform_indices = #map}, {transform_indices = #map}, {transform_indices = #map}, {transform_indices = #map1}]} {
    %mul3A = arith.constant 632 : i32
    %mul3A_0 = arith.muli %arg1, %mul3A : i32
    %eq3A = arith.constant 0 : i32
    %eq3A_1 = arith.cmpi eq, %arg0, %eq3A : i32
    %select_n3A = arith.constant 8 : i32
    %select_n3A_2 = arith.constant 72 : i32
    %select_n3A_3 = arith.select %eq3A_1, %select_n3A_2, %select_n3A : i32
    %eq3A_4 = arith.constant 0 : i32
    %eq3A_5 = arith.cmpi eq, %arg0, %eq3A_4 : i32
    %mul3A_6 = arith.constant 72 : i32
    %mul3A_7 = arith.muli %arg1, %mul3A_6 : i32
    %mul3A_8 = arith.constant 8 : i32
    %mul3A_9 = arith.muli %arg1, %mul3A_8 : i32
    %add3A = arith.constant 1152 : i32
    %add3A_10 = arith.addi %add3A, %mul3A_9 : i32
    %select_n3A_11 = arith.select %eq3A_5, %mul3A_7, %add3A_10 : i32
    "tpu.region"() ({
      %run_scoped3A = tpu.sem_alloc : memref<!tpu.dma_semaphore, #tpu.memory_space<semaphore_mem>>
      %dma_start3A_65 = arith.constant 0 : i32
      %dma_start3A_66 = tpu.memref_slice %arg3[%select_n3A_11, %dma_start3A_65] : memref<1344x256xi32, #tpu.memory_space<hbm>> -> memref<72x256xi32, #tpu.memory_space<hbm>>
      %dma_start3A_67 = arith.constant 0 : i32
      %dma_start3A_68 = tpu.memref_slice %arg3[%select_n3A_11, %dma_start3A_67] : memref<1344x256xi32, #tpu.memory_space<hbm>> -> memref<72x256xi32, #tpu.memory_space<hbm>>
      tpu.enqueue_dma source(%dma_start3A_68 : memref<72x256xi32, #tpu.memory_space<hbm>>) target(%arg6 : memref<72x256xi32, #tpu.memory_space<vmem>>) target_semaphore(%run_scoped3A : memref<!tpu.dma_semaphore, #tpu.memory_space<semaphore_mem>>)
      %dma_wait3A_69 = arith.constant 0 : i32
      %dma_wait3A_70 = tpu.memref_slice %arg3[%select_n3A_11, %dma_wait3A_69] : memref<1344x256xi32, #tpu.memory_space<hbm>> -> memref<72x256xi32, #tpu.memory_space<hbm>>
      %dma_wait3A_71 = arith.constant 0 : i32
      %dma_wait3A_72 = tpu.memref_slice %arg3[%select_n3A_11, %dma_wait3A_71] : memref<1344x256xi32, #tpu.memory_space<hbm>> -> memref<72x256xi32, #tpu.memory_space<hbm>>
      tpu.wait_dma2 semaphore(%run_scoped3A : memref<!tpu.dma_semaphore, #tpu.memory_space<semaphore_mem>>) src(%dma_wait3A_72 : memref<72x256xi32, #tpu.memory_space<hbm>>) dst(%arg6 : memref<72x256xi32, #tpu.memory_space<vmem>>)
      tpu.yield
    }) : () -> ()
    "tpu.region"() ({
      %run_scoped3A = tpu.sem_alloc : memref<!tpu.dma_semaphore, #tpu.memory_space<semaphore_mem>>
      %dma_start3A_65 = arith.constant 0 : i32
      %dma_start3A_66 = tpu.memref_slice %arg4[%select_n3A_11, %dma_start3A_65] : memref<1344x256xi32, #tpu.memory_space<hbm>> -> memref<72x256xi32, #tpu.memory_space<hbm>>
      %dma_start3A_67 = arith.constant 0 : i32
      %dma_start3A_68 = tpu.memref_slice %arg4[%select_n3A_11, %dma_start3A_67] : memref<1344x256xi32, #tpu.memory_space<hbm>> -> memref<72x256xi32, #tpu.memory_space<hbm>>
      tpu.enqueue_dma source(%dma_start3A_68 : memref<72x256xi32, #tpu.memory_space<hbm>>) target(%arg7 : memref<72x256xi32, #tpu.memory_space<vmem>>) target_semaphore(%run_scoped3A : memref<!tpu.dma_semaphore, #tpu.memory_space<semaphore_mem>>)
      %dma_wait3A_69 = arith.constant 0 : i32
      %dma_wait3A_70 = tpu.memref_slice %arg4[%select_n3A_11, %dma_wait3A_69] : memref<1344x256xi32, #tpu.memory_space<hbm>> -> memref<72x256xi32, #tpu.memory_space<hbm>>
      %dma_wait3A_71 = arith.constant 0 : i32
      %dma_wait3A_72 = tpu.memref_slice %arg4[%select_n3A_11, %dma_wait3A_71] : memref<1344x256xi32, #tpu.memory_space<hbm>> -> memref<72x256xi32, #tpu.memory_space<hbm>>
      tpu.wait_dma2 semaphore(%run_scoped3A : memref<!tpu.dma_semaphore, #tpu.memory_space<semaphore_mem>>) src(%dma_wait3A_72 : memref<72x256xi32, #tpu.memory_space<hbm>>) dst(%arg7 : memref<72x256xi32, #tpu.memory_space<vmem>>)
      tpu.yield
    }) : () -> ()
    "tpu.region"() ({
      %run_scoped3A = tpu.sem_alloc : memref<!tpu.dma_semaphore, #tpu.memory_space<semaphore_mem>>
      %dma_start3A_65 = arith.constant 0 : i32
      %dma_start3A_66 = tpu.memref_slice %arg10[%mul3A_0, %dma_start3A_65] : memref<10112x40xf32, #tpu.memory_space<vmem_shared>> -> memref<632x40xf32, #tpu.memory_space<vmem_shared>>
      %dma_start3A_67 = arith.constant 0 : i32
      %dma_start3A_68 = tpu.memref_slice %arg2[%mul3A_0, %dma_start3A_67] : memref<10112x40xf32, #tpu.memory_space<hbm>> -> memref<632x40xf32, #tpu.memory_space<hbm>>
      tpu.enqueue_dma source(%dma_start3A_68 : memref<632x40xf32, #tpu.memory_space<hbm>>) target(%dma_start3A_66 : memref<632x40xf32, #tpu.memory_space<vmem_shared>>) target_semaphore(%run_scoped3A : memref<!tpu.dma_semaphore, #tpu.memory_space<semaphore_mem>>)
      %dma_wait3A_69 = arith.constant 0 : i32
      %dma_wait3A_70 = tpu.memref_slice %arg10[%mul3A_0, %dma_wait3A_69] : memref<10112x40xf32, #tpu.memory_space<vmem_shared>> -> memref<632x40xf32, #tpu.memory_space<vmem_shared>>
      %dma_wait3A_71 = arith.constant 0 : i32
      %dma_wait3A_72 = tpu.memref_slice %arg2[%mul3A_0, %dma_wait3A_71] : memref<10112x40xf32, #tpu.memory_space<hbm>> -> memref<632x40xf32, #tpu.memory_space<hbm>>
      tpu.wait_dma2 semaphore(%run_scoped3A : memref<!tpu.dma_semaphore, #tpu.memory_space<semaphore_mem>>) src(%dma_wait3A_72 : memref<632x40xf32, #tpu.memory_space<hbm>>) dst(%dma_wait3A_70 : memref<632x40xf32, #tpu.memory_space<vmem_shared>>)
      tpu.yield
    }) : () -> ()
    %barrier3A = arith.constant 0 : index
    tpu.barrier barrier_id(%barrier3A)
    %dma_start3A = arith.constant 0 : i32
    %dma_start3A_12 = arith.constant 0 : i32
    %dma_start3A_13 = tpu.memref_slice %arg6[%dma_start3A, %dma_start3A_12] : memref<72x256xi32, #tpu.memory_space<vmem>> -> memref<1x256xi32, #tpu.memory_space<vmem>>
    %dma_start3A_14 = tpu.memref_squeeze %dma_start3A_13 : memref<1x256xi32, #tpu.memory_space<vmem>> -> memref<256xi32, #tpu.memory_space<vmem>>
    %dma_start3A_15 = arith.constant 0 : i32
    %dma_start3A_16 = arith.constant 0 : i32
    %dma_start3A_17 = tpu.memref_slice %arg2[%dma_start3A_15, %dma_start3A_16] : memref<10112x40xf32, #tpu.memory_space<hbm>> -> memref<10112x40xf32, #tpu.memory_space<hbm>>
    tpu.enqueue_indirect_dma source(%dma_start3A_17 : memref<10112x40xf32, #tpu.memory_space<hbm>>) target(%arg8 : memref<256x40xf32, #tpu.memory_space<vmem>>) offsets(%dma_start3A_14 : memref<256xi32, #tpu.memory_space<vmem>>) semaphore(%arg11 : memref<!tpu.dma_semaphore, #tpu.memory_space<semaphore_mem>>)
    %dma_start3A_18 = arith.constant 1 : i32
    %dma_start3A_19 = arith.constant 0 : i32
    %dma_start3A_20 = tpu.memref_slice %arg6[%dma_start3A_18, %dma_start3A_19] : memref<72x256xi32, #tpu.memory_space<vmem>> -> memref<1x256xi32, #tpu.memory_space<vmem>>
    %dma_start3A_21 = tpu.memref_squeeze %dma_start3A_20 : memref<1x256xi32, #tpu.memory_space<vmem>> -> memref<256xi32, #tpu.memory_space<vmem>>
    %dma_start3A_22 = arith.constant 0 : i32
    %dma_start3A_23 = arith.constant 0 : i32
    %dma_start3A_24 = tpu.memref_slice %arg2[%dma_start3A_22, %dma_start3A_23] : memref<10112x40xf32, #tpu.memory_space<hbm>> -> memref<10112x40xf32, #tpu.memory_space<hbm>>
    tpu.enqueue_indirect_dma source(%dma_start3A_24 : memref<10112x40xf32, #tpu.memory_space<hbm>>) target(%arg9 : memref<256x40xf32, #tpu.memory_space<vmem>>) offsets(%dma_start3A_21 : memref<256xi32, #tpu.memory_space<vmem>>) semaphore(%arg12 : memref<!tpu.dma_semaphore, #tpu.memory_space<semaphore_mem>>)
    %jit3A = arith.constant 2 : i32
    %div3A = arith.divsi %select_n3A_3, %jit3A : i32
    %sign3A = arith.constant 0 : i32
    %sign3A_25 = arith.cmpi sgt, %select_n3A_3, %sign3A : i32
    %sign3A_26 = arith.extui %sign3A_25 : i1 to i32
    %sign3A_27 = arith.constant 0 : i32
    %sign3A_28 = arith.cmpi slt, %select_n3A_3, %sign3A_27 : i32
    %sign3A_29 = arith.extui %sign3A_28 : i1 to i32
    %sign3A_30 = arith.subi %sign3A_26, %sign3A_29 : i32
    %sign3A_31 = arith.constant 0 : i32
    %sign3A_32 = arith.cmpi sgt, %jit3A, %sign3A_31 : i32
    %sign3A_33 = arith.extui %sign3A_32 : i1 to i32
    %sign3A_34 = arith.constant 0 : i32
    %sign3A_35 = arith.cmpi slt, %jit3A, %sign3A_34 : i32
    %sign3A_36 = arith.extui %sign3A_35 : i1 to i32
    %sign3A_37 = arith.subi %sign3A_33, %sign3A_36 : i32
    %ne3A = arith.cmpi ne, %sign3A_30, %sign3A_37 : i32
    %rem3A = arith.remsi %select_n3A_3, %jit3A : i32
    %ne3A_38 = arith.constant 0 : i32
    %ne3A_39 = arith.cmpi ne, %rem3A, %ne3A_38 : i32
    %and3A = arith.andi %ne3A, %ne3A_39 : i1
    %sub3A = arith.constant 1 : i32
    %sub3A_40 = arith.subi %div3A, %sub3A : i32
    %select_n3A_41 = arith.select %and3A, %sub3A_40, %div3A : i32
    %while3A = arith.constant 0 : i32
    %while3A_42 = arith.constant 0 : i32
    %while3A_43 = arith.subi %select_n3A_41, %while3A_42 : i32
    %while3A_44 = arith.addi %while3A_42, %while3A_43 : i32
    %while3A_45 = arith.constant 1 : i32
    %while3A_46 = arith.divsi %while3A_43, %while3A_45 : i32
    %while3A_47 = arith.muli %while3A_46, %while3A_45 : i32
    %while3A_48 = arith.addi %while3A_42, %while3A_47 : i32
    %while3A_49 = arith.constant 1 : i32
    scf.for %while3A_65 = %while3A_42 to %while3A_48 step %while3A_49  : i32 {
      %mul3A_66 = arith.constant 2 : i32
      %mul3A_67 = arith.muli %mul3A_66, %while3A_65 : i32
      %dma_wait3A_68 = arith.constant 0 : i32
      %dma_wait3A_69 = tpu.memref_slice %arg6[%mul3A_67, %dma_wait3A_68] : memref<72x256xi32, #tpu.memory_space<vmem>> -> memref<1x256xi32, #tpu.memory_space<vmem>>
      %dma_wait3A_70 = tpu.memref_squeeze %dma_wait3A_69 : memref<1x256xi32, #tpu.memory_space<vmem>> -> memref<256xi32, #tpu.memory_space<vmem>>
      %dma_wait3A_71 = arith.constant 0 : i32
      %dma_wait3A_72 = arith.constant 0 : i32
      %dma_wait3A_73 = tpu.memref_slice %arg2[%dma_wait3A_71, %dma_wait3A_72] : memref<10112x40xf32, #tpu.memory_space<hbm>> -> memref<10112x40xf32, #tpu.memory_space<hbm>>
      tpu.wait_indirect_dma semaphore(%arg11 : memref<!tpu.dma_semaphore, #tpu.memory_space<semaphore_mem>>) src(%dma_wait3A_73 : memref<10112x40xf32, #tpu.memory_space<hbm>>) dst(%arg8 : memref<256x40xf32, #tpu.memory_space<vmem>>)
      %dma_start3A_74 = arith.constant 0 : i32
      %dma_start3A_75 = tpu.memref_slice %arg7[%mul3A_67, %dma_start3A_74] : memref<72x256xi32, #tpu.memory_space<vmem>> -> memref<1x256xi32, #tpu.memory_space<vmem>>
      %dma_start3A_76 = tpu.memref_squeeze %dma_start3A_75 : memref<1x256xi32, #tpu.memory_space<vmem>> -> memref<256xi32, #tpu.memory_space<vmem>>
      %dma_start3A_77 = arith.constant 0 : i32
      %dma_start3A_78 = arith.constant 0 : i32
      %dma_start3A_79 = tpu.memref_slice %arg10[%dma_start3A_77, %dma_start3A_78] : memref<10112x40xf32, #tpu.memory_space<vmem_shared>> -> memref<10112x40xf32, #tpu.memory_space<vmem_shared>>
      tpu.enqueue_indirect_dma source(%arg8 : memref<256x40xf32, #tpu.memory_space<vmem>>) target(%dma_start3A_79 : memref<10112x40xf32, #tpu.memory_space<vmem_shared>>) offsets(%dma_start3A_76 : memref<256xi32, #tpu.memory_space<vmem>>) semaphore(%arg13 : memref<!tpu.dma_semaphore, #tpu.memory_space<semaphore_mem>>) {add = true}
      %add3A_80 = arith.constant 1 : i32
      %add3A_81 = arith.addi %mul3A_67, %add3A_80 : i32
      %dma_wait3A_82 = arith.constant 0 : i32
      %dma_wait3A_83 = tpu.memref_slice %arg6[%add3A_81, %dma_wait3A_82] : memref<72x256xi32, #tpu.memory_space<vmem>> -> memref<1x256xi32, #tpu.memory_space<vmem>>
      %dma_wait3A_84 = tpu.memref_squeeze %dma_wait3A_83 : memref<1x256xi32, #tpu.memory_space<vmem>> -> memref<256xi32, #tpu.memory_space<vmem>>
      %dma_wait3A_85 = arith.constant 0 : i32
      %dma_wait3A_86 = arith.constant 0 : i32
      %dma_wait3A_87 = tpu.memref_slice %arg2[%dma_wait3A_85, %dma_wait3A_86] : memref<10112x40xf32, #tpu.memory_space<hbm>> -> memref<10112x40xf32, #tpu.memory_space<hbm>>
      tpu.wait_indirect_dma semaphore(%arg12 : memref<!tpu.dma_semaphore, #tpu.memory_space<semaphore_mem>>) src(%dma_wait3A_87 : memref<10112x40xf32, #tpu.memory_space<hbm>>) dst(%arg9 : memref<256x40xf32, #tpu.memory_space<vmem>>)
      %add3A_88 = arith.constant 1 : i32
      %add3A_89 = arith.addi %mul3A_67, %add3A_88 : i32
      %dma_start3A_90 = arith.constant 0 : i32
      %dma_start3A_91 = tpu.memref_slice %arg7[%add3A_89, %dma_start3A_90] : memref<72x256xi32, #tpu.memory_space<vmem>> -> memref<1x256xi32, #tpu.memory_space<vmem>>
      %dma_start3A_92 = tpu.memref_squeeze %dma_start3A_91 : memref<1x256xi32, #tpu.memory_space<vmem>> -> memref<256xi32, #tpu.memory_space<vmem>>
      %dma_start3A_93 = arith.constant 0 : i32
      %dma_start3A_94 = arith.constant 0 : i32
      %dma_start3A_95 = tpu.memref_slice %arg10[%dma_start3A_93, %dma_start3A_94] : memref<10112x40xf32, #tpu.memory_space<vmem_shared>> -> memref<10112x40xf32, #tpu.memory_space<vmem_shared>>
      tpu.enqueue_indirect_dma source(%arg9 : memref<256x40xf32, #tpu.memory_space<vmem>>) target(%dma_start3A_95 : memref<10112x40xf32, #tpu.memory_space<vmem_shared>>) offsets(%dma_start3A_92 : memref<256xi32, #tpu.memory_space<vmem>>) semaphore(%arg14 : memref<!tpu.dma_semaphore, #tpu.memory_space<semaphore_mem>>) {add = true}
      %add3A_96 = arith.constant 2 : i32
      %add3A_97 = arith.addi %mul3A_67, %add3A_96 : i32
      %lt3A = arith.cmpi slt, %add3A_97, %select_n3A_3 : i32
      %convert_element_type3A = arith.extui %lt3A : i1 to i32
      %cond3A = arith.constant 0 : i32
      %cond3A_98 = arith.cmpi ne, %convert_element_type3A, %cond3A : i32
      scf.if %cond3A_98 {
        %dma_wait3A_99 = arith.constant 0 : i32
        %dma_wait3A_100 = tpu.memref_slice %arg7[%mul3A_67, %dma_wait3A_99] : memref<72x256xi32, #tpu.memory_space<vmem>> -> memref<1x256xi32, #tpu.memory_space<vmem>>
        %dma_wait3A_101 = tpu.memref_squeeze %dma_wait3A_100 : memref<1x256xi32, #tpu.memory_space<vmem>> -> memref<256xi32, #tpu.memory_space<vmem>>
        %dma_wait3A_102 = arith.constant 0 : i32
        %dma_wait3A_103 = arith.constant 0 : i32
        %dma_wait3A_104 = tpu.memref_slice %arg10[%dma_wait3A_102, %dma_wait3A_103] : memref<10112x40xf32, #tpu.memory_space<vmem_shared>> -> memref<10112x40xf32, #tpu.memory_space<vmem_shared>>
        tpu.wait_indirect_dma semaphore(%arg13 : memref<!tpu.dma_semaphore, #tpu.memory_space<semaphore_mem>>) src(%arg8 : memref<256x40xf32, #tpu.memory_space<vmem>>) dst(%dma_wait3A_104 : memref<10112x40xf32, #tpu.memory_space<vmem_shared>>)
        %add3A_105 = arith.constant 2 : i32
        %add3A_106 = arith.addi %mul3A_67, %add3A_105 : i32
        %dma_start3A_107 = arith.constant 0 : i32
        %dma_start3A_108 = tpu.memref_slice %arg6[%add3A_106, %dma_start3A_107] : memref<72x256xi32, #tpu.memory_space<vmem>> -> memref<1x256xi32, #tpu.memory_space<vmem>>
        %dma_start3A_109 = tpu.memref_squeeze %dma_start3A_108 : memref<1x256xi32, #tpu.memory_space<vmem>> -> memref<256xi32, #tpu.memory_space<vmem>>
        %dma_start3A_110 = arith.constant 0 : i32
        %dma_start3A_111 = arith.constant 0 : i32
        %dma_start3A_112 = tpu.memref_slice %arg2[%dma_start3A_110, %dma_start3A_111] : memref<10112x40xf32, #tpu.memory_space<hbm>> -> memref<10112x40xf32, #tpu.memory_space<hbm>>
        tpu.enqueue_indirect_dma source(%dma_start3A_112 : memref<10112x40xf32, #tpu.memory_space<hbm>>) target(%arg8 : memref<256x40xf32, #tpu.memory_space<vmem>>) offsets(%dma_start3A_109 : memref<256xi32, #tpu.memory_space<vmem>>) semaphore(%arg11 : memref<!tpu.dma_semaphore, #tpu.memory_space<semaphore_mem>>)
        %add3A_113 = arith.constant 1 : i32
        %add3A_114 = arith.addi %mul3A_67, %add3A_113 : i32
        %dma_wait3A_115 = arith.constant 0 : i32
        %dma_wait3A_116 = tpu.memref_slice %arg7[%add3A_114, %dma_wait3A_115] : memref<72x256xi32, #tpu.memory_space<vmem>> -> memref<1x256xi32, #tpu.memory_space<vmem>>
        %dma_wait3A_117 = tpu.memref_squeeze %dma_wait3A_116 : memref<1x256xi32, #tpu.memory_space<vmem>> -> memref<256xi32, #tpu.memory_space<vmem>>
        %dma_wait3A_118 = arith.constant 0 : i32
        %dma_wait3A_119 = arith.constant 0 : i32
        %dma_wait3A_120 = tpu.memref_slice %arg10[%dma_wait3A_118, %dma_wait3A_119] : memref<10112x40xf32, #tpu.memory_space<vmem_shared>> -> memref<10112x40xf32, #tpu.memory_space<vmem_shared>>
        tpu.wait_indirect_dma semaphore(%arg14 : memref<!tpu.dma_semaphore, #tpu.memory_space<semaphore_mem>>) src(%arg9 : memref<256x40xf32, #tpu.memory_space<vmem>>) dst(%dma_wait3A_120 : memref<10112x40xf32, #tpu.memory_space<vmem_shared>>)
        %add3A_121 = arith.constant 3 : i32
        %add3A_122 = arith.addi %mul3A_67, %add3A_121 : i32
        %dma_start3A_123 = arith.constant 0 : i32
        %dma_start3A_124 = tpu.memref_slice %arg6[%add3A_122, %dma_start3A_123] : memref<72x256xi32, #tpu.memory_space<vmem>> -> memref<1x256xi32, #tpu.memory_space<vmem>>
        %dma_start3A_125 = tpu.memref_squeeze %dma_start3A_124 : memref<1x256xi32, #tpu.memory_space<vmem>> -> memref<256xi32, #tpu.memory_space<vmem>>
        %dma_start3A_126 = arith.constant 0 : i32
        %dma_start3A_127 = arith.constant 0 : i32
        %dma_start3A_128 = tpu.memref_slice %arg2[%dma_start3A_126, %dma_start3A_127] : memref<10112x40xf32, #tpu.memory_space<hbm>> -> memref<10112x40xf32, #tpu.memory_space<hbm>>
        tpu.enqueue_indirect_dma source(%dma_start3A_128 : memref<10112x40xf32, #tpu.memory_space<hbm>>) target(%arg9 : memref<256x40xf32, #tpu.memory_space<vmem>>) offsets(%dma_start3A_125 : memref<256xi32, #tpu.memory_space<vmem>>) semaphore(%arg12 : memref<!tpu.dma_semaphore, #tpu.memory_space<semaphore_mem>>)
      } else {
      }
    }
    %while3A_50 = arith.constant 1 : i32
    scf.for %while3A_65 = %while3A_48 to %while3A_44 step %while3A_50  : i32 {
      %mul3A_66 = arith.constant 2 : i32
      %mul3A_67 = arith.muli %mul3A_66, %while3A_65 : i32
      %dma_wait3A_68 = arith.constant 0 : i32
      %dma_wait3A_69 = tpu.memref_slice %arg6[%mul3A_67, %dma_wait3A_68] : memref<72x256xi32, #tpu.memory_space<vmem>> -> memref<1x256xi32, #tpu.memory_space<vmem>>
      %dma_wait3A_70 = tpu.memref_squeeze %dma_wait3A_69 : memref<1x256xi32, #tpu.memory_space<vmem>> -> memref<256xi32, #tpu.memory_space<vmem>>
      %dma_wait3A_71 = arith.constant 0 : i32
      %dma_wait3A_72 = arith.constant 0 : i32
      %dma_wait3A_73 = tpu.memref_slice %arg2[%dma_wait3A_71, %dma_wait3A_72] : memref<10112x40xf32, #tpu.memory_space<hbm>> -> memref<10112x40xf32, #tpu.memory_space<hbm>>
      tpu.wait_indirect_dma semaphore(%arg11 : memref<!tpu.dma_semaphore, #tpu.memory_space<semaphore_mem>>) src(%dma_wait3A_73 : memref<10112x40xf32, #tpu.memory_space<hbm>>) dst(%arg8 : memref<256x40xf32, #tpu.memory_space<vmem>>)
      %dma_start3A_74 = arith.constant 0 : i32
      %dma_start3A_75 = tpu.memref_slice %arg7[%mul3A_67, %dma_start3A_74] : memref<72x256xi32, #tpu.memory_space<vmem>> -> memref<1x256xi32, #tpu.memory_space<vmem>>
      %dma_start3A_76 = tpu.memref_squeeze %dma_start3A_75 : memref<1x256xi32, #tpu.memory_space<vmem>> -> memref<256xi32, #tpu.memory_space<vmem>>
      %dma_start3A_77 = arith.constant 0 : i32
      %dma_start3A_78 = arith.constant 0 : i32
      %dma_start3A_79 = tpu.memref_slice %arg10[%dma_start3A_77, %dma_start3A_78] : memref<10112x40xf32, #tpu.memory_space<vmem_shared>> -> memref<10112x40xf32, #tpu.memory_space<vmem_shared>>
      tpu.enqueue_indirect_dma source(%arg8 : memref<256x40xf32, #tpu.memory_space<vmem>>) target(%dma_start3A_79 : memref<10112x40xf32, #tpu.memory_space<vmem_shared>>) offsets(%dma_start3A_76 : memref<256xi32, #tpu.memory_space<vmem>>) semaphore(%arg13 : memref<!tpu.dma_semaphore, #tpu.memory_space<semaphore_mem>>) {add = true}
      %add3A_80 = arith.constant 1 : i32
      %add3A_81 = arith.addi %mul3A_67, %add3A_80 : i32
      %dma_wait3A_82 = arith.constant 0 : i32
      %dma_wait3A_83 = tpu.memref_slice %arg6[%add3A_81, %dma_wait3A_82] : memref<72x256xi32, #tpu.memory_space<vmem>> -> memref<1x256xi32, #tpu.memory_space<vmem>>
      %dma_wait3A_84 = tpu.memref_squeeze %dma_wait3A_83 : memref<1x256xi32, #tpu.memory_space<vmem>> -> memref<256xi32, #tpu.memory_space<vmem>>
      %dma_wait3A_85 = arith.constant 0 : i32
      %dma_wait3A_86 = arith.constant 0 : i32
      %dma_wait3A_87 = tpu.memref_slice %arg2[%dma_wait3A_85, %dma_wait3A_86] : memref<10112x40xf32, #tpu.memory_space<hbm>> -> memref<10112x40xf32, #tpu.memory_space<hbm>>
      tpu.wait_indirect_dma semaphore(%arg12 : memref<!tpu.dma_semaphore, #tpu.memory_space<semaphore_mem>>) src(%dma_wait3A_87 : memref<10112x40xf32, #tpu.memory_space<hbm>>) dst(%arg9 : memref<256x40xf32, #tpu.memory_space<vmem>>)
      %add3A_88 = arith.constant 1 : i32
      %add3A_89 = arith.addi %mul3A_67, %add3A_88 : i32
      %dma_start3A_90 = arith.constant 0 : i32
      %dma_start3A_91 = tpu.memref_slice %arg7[%add3A_89, %dma_start3A_90] : memref<72x256xi32, #tpu.memory_space<vmem>> -> memref<1x256xi32, #tpu.memory_space<vmem>>
      %dma_start3A_92 = tpu.memref_squeeze %dma_start3A_91 : memref<1x256xi32, #tpu.memory_space<vmem>> -> memref<256xi32, #tpu.memory_space<vmem>>
      %dma_start3A_93 = arith.constant 0 : i32
      %dma_start3A_94 = arith.constant 0 : i32
      %dma_start3A_95 = tpu.memref_slice %arg10[%dma_start3A_93, %dma_start3A_94] : memref<10112x40xf32, #tpu.memory_space<vmem_shared>> -> memref<10112x40xf32, #tpu.memory_space<vmem_shared>>
      tpu.enqueue_indirect_dma source(%arg9 : memref<256x40xf32, #tpu.memory_space<vmem>>) target(%dma_start3A_95 : memref<10112x40xf32, #tpu.memory_space<vmem_shared>>) offsets(%dma_start3A_92 : memref<256xi32, #tpu.memory_space<vmem>>) semaphore(%arg14 : memref<!tpu.dma_semaphore, #tpu.memory_space<semaphore_mem>>) {add = true}
      %add3A_96 = arith.constant 2 : i32
      %add3A_97 = arith.addi %mul3A_67, %add3A_96 : i32
      %lt3A = arith.cmpi slt, %add3A_97, %select_n3A_3 : i32
      %convert_element_type3A = arith.extui %lt3A : i1 to i32
      %cond3A = arith.constant 0 : i32
      %cond3A_98 = arith.cmpi ne, %convert_element_type3A, %cond3A : i32
      scf.if %cond3A_98 {
        %dma_wait3A_99 = arith.constant 0 : i32
        %dma_wait3A_100 = tpu.memref_slice %arg7[%mul3A_67, %dma_wait3A_99] : memref<72x256xi32, #tpu.memory_space<vmem>> -> memref<1x256xi32, #tpu.memory_space<vmem>>
        %dma_wait3A_101 = tpu.memref_squeeze %dma_wait3A_100 : memref<1x256xi32, #tpu.memory_space<vmem>> -> memref<256xi32, #tpu.memory_space<vmem>>
        %dma_wait3A_102 = arith.constant 0 : i32
        %dma_wait3A_103 = arith.constant 0 : i32
        %dma_wait3A_104 = tpu.memref_slice %arg10[%dma_wait3A_102, %dma_wait3A_103] : memref<10112x40xf32, #tpu.memory_space<vmem_shared>> -> memref<10112x40xf32, #tpu.memory_space<vmem_shared>>
        tpu.wait_indirect_dma semaphore(%arg13 : memref<!tpu.dma_semaphore, #tpu.memory_space<semaphore_mem>>) src(%arg8 : memref<256x40xf32, #tpu.memory_space<vmem>>) dst(%dma_wait3A_104 : memref<10112x40xf32, #tpu.memory_space<vmem_shared>>)
        %add3A_105 = arith.constant 2 : i32
        %add3A_106 = arith.addi %mul3A_67, %add3A_105 : i32
        %dma_start3A_107 = arith.constant 0 : i32
        %dma_start3A_108 = tpu.memref_slice %arg6[%add3A_106, %dma_start3A_107] : memref<72x256xi32, #tpu.memory_space<vmem>> -> memref<1x256xi32, #tpu.memory_space<vmem>>
        %dma_start3A_109 = tpu.memref_squeeze %dma_start3A_108 : memref<1x256xi32, #tpu.memory_space<vmem>> -> memref<256xi32, #tpu.memory_space<vmem>>
        %dma_start3A_110 = arith.constant 0 : i32
        %dma_start3A_111 = arith.constant 0 : i32
        %dma_start3A_112 = tpu.memref_slice %arg2[%dma_start3A_110, %dma_start3A_111] : memref<10112x40xf32, #tpu.memory_space<hbm>> -> memref<10112x40xf32, #tpu.memory_space<hbm>>
        tpu.enqueue_indirect_dma source(%dma_start3A_112 : memref<10112x40xf32, #tpu.memory_space<hbm>>) target(%arg8 : memref<256x40xf32, #tpu.memory_space<vmem>>) offsets(%dma_start3A_109 : memref<256xi32, #tpu.memory_space<vmem>>) semaphore(%arg11 : memref<!tpu.dma_semaphore, #tpu.memory_space<semaphore_mem>>)
        %add3A_113 = arith.constant 1 : i32
        %add3A_114 = arith.addi %mul3A_67, %add3A_113 : i32
        %dma_wait3A_115 = arith.constant 0 : i32
        %dma_wait3A_116 = tpu.memref_slice %arg7[%add3A_114, %dma_wait3A_115] : memref<72x256xi32, #tpu.memory_space<vmem>> -> memref<1x256xi32, #tpu.memory_space<vmem>>
        %dma_wait3A_117 = tpu.memref_squeeze %dma_wait3A_116 : memref<1x256xi32, #tpu.memory_space<vmem>> -> memref<256xi32, #tpu.memory_space<vmem>>
        %dma_wait3A_118 = arith.constant 0 : i32
        %dma_wait3A_119 = arith.constant 0 : i32
        %dma_wait3A_120 = tpu.memref_slice %arg10[%dma_wait3A_118, %dma_wait3A_119] : memref<10112x40xf32, #tpu.memory_space<vmem_shared>> -> memref<10112x40xf32, #tpu.memory_space<vmem_shared>>
        tpu.wait_indirect_dma semaphore(%arg14 : memref<!tpu.dma_semaphore, #tpu.memory_space<semaphore_mem>>) src(%arg9 : memref<256x40xf32, #tpu.memory_space<vmem>>) dst(%dma_wait3A_120 : memref<10112x40xf32, #tpu.memory_space<vmem_shared>>)
        %add3A_121 = arith.constant 3 : i32
        %add3A_122 = arith.addi %mul3A_67, %add3A_121 : i32
        %dma_start3A_123 = arith.constant 0 : i32
        %dma_start3A_124 = tpu.memref_slice %arg6[%add3A_122, %dma_start3A_123] : memref<72x256xi32, #tpu.memory_space<vmem>> -> memref<1x256xi32, #tpu.memory_space<vmem>>
        %dma_start3A_125 = tpu.memref_squeeze %dma_start3A_124 : memref<1x256xi32, #tpu.memory_space<vmem>> -> memref<256xi32, #tpu.memory_space<vmem>>
        %dma_start3A_126 = arith.constant 0 : i32
        %dma_start3A_127 = arith.constant 0 : i32
        %dma_start3A_128 = tpu.memref_slice %arg2[%dma_start3A_126, %dma_start3A_127] : memref<10112x40xf32, #tpu.memory_space<hbm>> -> memref<10112x40xf32, #tpu.memory_space<hbm>>
        tpu.enqueue_indirect_dma source(%dma_start3A_128 : memref<10112x40xf32, #tpu.memory_space<hbm>>) target(%arg9 : memref<256x40xf32, #tpu.memory_space<vmem>>) offsets(%dma_start3A_125 : memref<256xi32, #tpu.memory_space<vmem>>) semaphore(%arg12 : memref<!tpu.dma_semaphore, #tpu.memory_space<semaphore_mem>>)
      } else {
      }
    }
    %dma_wait3A = arith.constant 0 : i32
    %dma_wait3A_51 = arith.constant 0 : i32
    %dma_wait3A_52 = tpu.memref_slice %arg7[%dma_wait3A, %dma_wait3A_51] : memref<72x256xi32, #tpu.memory_space<vmem>> -> memref<1x256xi32, #tpu.memory_space<vmem>>
    %dma_wait3A_53 = tpu.memref_squeeze %dma_wait3A_52 : memref<1x256xi32, #tpu.memory_space<vmem>> -> memref<256xi32, #tpu.memory_space<vmem>>
    %dma_wait3A_54 = arith.constant 0 : i32
    %dma_wait3A_55 = arith.constant 0 : i32
    %dma_wait3A_56 = tpu.memref_slice %arg10[%dma_wait3A_54, %dma_wait3A_55] : memref<10112x40xf32, #tpu.memory_space<vmem_shared>> -> memref<10112x40xf32, #tpu.memory_space<vmem_shared>>
    tpu.wait_indirect_dma semaphore(%arg13 : memref<!tpu.dma_semaphore, #tpu.memory_space<semaphore_mem>>) src(%arg8 : memref<256x40xf32, #tpu.memory_space<vmem>>) dst(%dma_wait3A_56 : memref<10112x40xf32, #tpu.memory_space<vmem_shared>>)
    %dma_wait3A_57 = arith.constant 0 : i32
    %dma_wait3A_58 = arith.constant 0 : i32
    %dma_wait3A_59 = tpu.memref_slice %arg7[%dma_wait3A_57, %dma_wait3A_58] : memref<72x256xi32, #tpu.memory_space<vmem>> -> memref<1x256xi32, #tpu.memory_space<vmem>>
    %dma_wait3A_60 = tpu.memref_squeeze %dma_wait3A_59 : memref<1x256xi32, #tpu.memory_space<vmem>> -> memref<256xi32, #tpu.memory_space<vmem>>
    %dma_wait3A_61 = arith.constant 0 : i32
    %dma_wait3A_62 = arith.constant 0 : i32
    %dma_wait3A_63 = tpu.memref_slice %arg10[%dma_wait3A_61, %dma_wait3A_62] : memref<10112x40xf32, #tpu.memory_space<vmem_shared>> -> memref<10112x40xf32, #tpu.memory_space<vmem_shared>>
    tpu.wait_indirect_dma semaphore(%arg14 : memref<!tpu.dma_semaphore, #tpu.memory_space<semaphore_mem>>) src(%arg9 : memref<256x40xf32, #tpu.memory_space<vmem>>) dst(%dma_wait3A_63 : memref<10112x40xf32, #tpu.memory_space<vmem_shared>>)
    %barrier3A_64 = arith.constant 0 : index
    tpu.barrier barrier_id(%barrier3A_64)
    "tpu.region"() ({
      %run_scoped3A = tpu.sem_alloc : memref<!tpu.dma_semaphore, #tpu.memory_space<semaphore_mem>>
      %dma_start3A_65 = arith.constant 0 : i32
      %dma_start3A_66 = tpu.memref_slice %arg5[%arg0, %mul3A_0, %dma_start3A_65] : memref<2x10112x40xf32, #tpu.memory_space<hbm>> -> memref<1x632x40xf32, #tpu.memory_space<hbm>>
      %dma_start3A_67 = tpu.memref_squeeze %dma_start3A_66 : memref<1x632x40xf32, #tpu.memory_space<hbm>> -> memref<632x40xf32, #tpu.memory_space<hbm>>
      %dma_start3A_68 = arith.constant 0 : i32
      %dma_start3A_69 = tpu.memref_slice %arg10[%mul3A_0, %dma_start3A_68] : memref<10112x40xf32, #tpu.memory_space<vmem_shared>> -> memref<632x40xf32, #tpu.memory_space<vmem_shared>>
      tpu.enqueue_dma source(%dma_start3A_69 : memref<632x40xf32, #tpu.memory_space<vmem_shared>>) target(%dma_start3A_67 : memref<632x40xf32, #tpu.memory_space<hbm>>) target_semaphore(%run_scoped3A : memref<!tpu.dma_semaphore, #tpu.memory_space<semaphore_mem>>)
      %dma_wait3A_70 = arith.constant 0 : i32
      %dma_wait3A_71 = tpu.memref_slice %arg5[%arg0, %mul3A_0, %dma_wait3A_70] : memref<2x10112x40xf32, #tpu.memory_space<hbm>> -> memref<1x632x40xf32, #tpu.memory_space<hbm>>
      %dma_wait3A_72 = tpu.memref_squeeze %dma_wait3A_71 : memref<1x632x40xf32, #tpu.memory_space<hbm>> -> memref<632x40xf32, #tpu.memory_space<hbm>>
      %dma_wait3A_73 = arith.constant 0 : i32
      %dma_wait3A_74 = tpu.memref_slice %arg10[%mul3A_0, %dma_wait3A_73] : memref<10112x40xf32, #tpu.memory_space<vmem_shared>> -> memref<632x40xf32, #tpu.memory_space<vmem_shared>>
      tpu.wait_dma2 semaphore(%run_scoped3A : memref<!tpu.dma_semaphore, #tpu.memory_space<semaphore_mem>>) src(%dma_wait3A_74 : memref<632x40xf32, #tpu.memory_space<vmem_shared>>) dst(%dma_wait3A_72 : memref<632x40xf32, #tpu.memory_space<hbm>>)
      tpu.yield
    }) : () -> ()
    return
  }
}

#map = affine_map<(d0, d1) -> (0, 0)>
#map1 = affine_map<(d0, d1) -> (0, 0, 0)>
module attributes {stable_mosaic.version = 14 : i64} {
  func.func @body(%arg0: i32, %arg1: i32, %arg2: memref<10112x64xf32, #tpu.memory_space<hbm>>, %arg3: memref<1344x256xi32, #tpu.memory_space<hbm>>, %arg4: memref<1344x256xi32, #tpu.memory_space<hbm>>, %arg5: memref<2x10112x64xf32, #tpu.memory_space<hbm>>, %arg6: memref<72x256xi32, #tpu.memory_space<vmem>>, %arg7: memref<72x256xi32, #tpu.memory_space<vmem>>, %arg8: memref<256x64xf32, #tpu.memory_space<vmem>>, %arg9: memref<256x64xf32, #tpu.memory_space<vmem>>, %arg10: memref<10112x64xf32, #tpu.memory_space<vmem_shared>>, %arg11: memref<!tpu.dma_semaphore, #tpu.memory_space<semaphore_mem>>, %arg12: memref<!tpu.dma_semaphore, #tpu.memory_space<semaphore_mem>>, %arg13: memref<!tpu.dma_semaphore, #tpu.memory_space<semaphore_mem>>, %arg14: memref<!tpu.dma_semaphore, #tpu.memory_space<semaphore_mem>>) attributes {dimension_semantics = [#tpu.dimension_semantics<core_parallel>, #tpu.dimension_semantics<subcore_parallel>], iteration_bounds = array<i64: 2, 16>, scalar_prefetch = 0 : i64, scratch_operands = 9 : i64, tpu.core_type = #tpu.core_type<sc_vector_subcore>, window_params = [{transform_indices = #map}, {transform_indices = #map}, {transform_indices = #map}, {transform_indices = #map1}]} {
    %mul3A = arith.constant 632 : i32
    %mul3A_0 = arith.muli %arg1, %mul3A : i32
    %eq3A = arith.constant 0 : i32
    %eq3A_1 = arith.cmpi eq, %arg0, %eq3A : i32
    %select_n3A = arith.constant 8 : i32
    %select_n3A_2 = arith.constant 72 : i32
    %select_n3A_3 = arith.select %eq3A_1, %select_n3A_2, %select_n3A : i32
    %eq3A_4 = arith.constant 0 : i32
    %eq3A_5 = arith.cmpi eq, %arg0, %eq3A_4 : i32
    %mul3A_6 = arith.constant 72 : i32
    %mul3A_7 = arith.muli %arg1, %mul3A_6 : i32
    %mul3A_8 = arith.constant 8 : i32
    %mul3A_9 = arith.muli %arg1, %mul3A_8 : i32
    %add3A = arith.constant 1152 : i32
    %add3A_10 = arith.addi %add3A, %mul3A_9 : i32
    %select_n3A_11 = arith.select %eq3A_5, %mul3A_7, %add3A_10 : i32
    "tpu.region"() ({
      %run_scoped3A = tpu.sem_alloc : memref<!tpu.dma_semaphore, #tpu.memory_space<semaphore_mem>>
      %dma_start3A_65 = arith.constant 0 : i32
      %dma_start3A_66 = tpu.memref_slice %arg3[%select_n3A_11, %dma_start3A_65] : memref<1344x256xi32, #tpu.memory_space<hbm>> -> memref<72x256xi32, #tpu.memory_space<hbm>>
      %dma_start3A_67 = arith.constant 0 : i32
      %dma_start3A_68 = tpu.memref_slice %arg3[%select_n3A_11, %dma_start3A_67] : memref<1344x256xi32, #tpu.memory_space<hbm>> -> memref<72x256xi32, #tpu.memory_space<hbm>>
      tpu.enqueue_dma source(%dma_start3A_68 : memref<72x256xi32, #tpu.memory_space<hbm>>) target(%arg6 : memref<72x256xi32, #tpu.memory_space<vmem>>) target_semaphore(%run_scoped3A : memref<!tpu.dma_semaphore, #tpu.memory_space<semaphore_mem>>)
      %dma_wait3A_69 = arith.constant 0 : i32
      %dma_wait3A_70 = tpu.memref_slice %arg3[%select_n3A_11, %dma_wait3A_69] : memref<1344x256xi32, #tpu.memory_space<hbm>> -> memref<72x256xi32, #tpu.memory_space<hbm>>
      %dma_wait3A_71 = arith.constant 0 : i32
      %dma_wait3A_72 = tpu.memref_slice %arg3[%select_n3A_11, %dma_wait3A_71] : memref<1344x256xi32, #tpu.memory_space<hbm>> -> memref<72x256xi32, #tpu.memory_space<hbm>>
      tpu.wait_dma2 semaphore(%run_scoped3A : memref<!tpu.dma_semaphore, #tpu.memory_space<semaphore_mem>>) src(%dma_wait3A_72 : memref<72x256xi32, #tpu.memory_space<hbm>>) dst(%arg6 : memref<72x256xi32, #tpu.memory_space<vmem>>)
      tpu.yield
    }) : () -> ()
    "tpu.region"() ({
      %run_scoped3A = tpu.sem_alloc : memref<!tpu.dma_semaphore, #tpu.memory_space<semaphore_mem>>
      %dma_start3A_65 = arith.constant 0 : i32
      %dma_start3A_66 = tpu.memref_slice %arg4[%select_n3A_11, %dma_start3A_65] : memref<1344x256xi32, #tpu.memory_space<hbm>> -> memref<72x256xi32, #tpu.memory_space<hbm>>
      %dma_start3A_67 = arith.constant 0 : i32
      %dma_start3A_68 = tpu.memref_slice %arg4[%select_n3A_11, %dma_start3A_67] : memref<1344x256xi32, #tpu.memory_space<hbm>> -> memref<72x256xi32, #tpu.memory_space<hbm>>
      tpu.enqueue_dma source(%dma_start3A_68 : memref<72x256xi32, #tpu.memory_space<hbm>>) target(%arg7 : memref<72x256xi32, #tpu.memory_space<vmem>>) target_semaphore(%run_scoped3A : memref<!tpu.dma_semaphore, #tpu.memory_space<semaphore_mem>>)
      %dma_wait3A_69 = arith.constant 0 : i32
      %dma_wait3A_70 = tpu.memref_slice %arg4[%select_n3A_11, %dma_wait3A_69] : memref<1344x256xi32, #tpu.memory_space<hbm>> -> memref<72x256xi32, #tpu.memory_space<hbm>>
      %dma_wait3A_71 = arith.constant 0 : i32
      %dma_wait3A_72 = tpu.memref_slice %arg4[%select_n3A_11, %dma_wait3A_71] : memref<1344x256xi32, #tpu.memory_space<hbm>> -> memref<72x256xi32, #tpu.memory_space<hbm>>
      tpu.wait_dma2 semaphore(%run_scoped3A : memref<!tpu.dma_semaphore, #tpu.memory_space<semaphore_mem>>) src(%dma_wait3A_72 : memref<72x256xi32, #tpu.memory_space<hbm>>) dst(%arg7 : memref<72x256xi32, #tpu.memory_space<vmem>>)
      tpu.yield
    }) : () -> ()
    "tpu.region"() ({
      %run_scoped3A = tpu.sem_alloc : memref<!tpu.dma_semaphore, #tpu.memory_space<semaphore_mem>>
      %dma_start3A_65 = arith.constant 0 : i32
      %dma_start3A_66 = tpu.memref_slice %arg10[%mul3A_0, %dma_start3A_65] : memref<10112x64xf32, #tpu.memory_space<vmem_shared>> -> memref<632x64xf32, #tpu.memory_space<vmem_shared>>
      %dma_start3A_67 = arith.constant 0 : i32
      %dma_start3A_68 = tpu.memref_slice %arg2[%mul3A_0, %dma_start3A_67] : memref<10112x64xf32, #tpu.memory_space<hbm>> -> memref<632x64xf32, #tpu.memory_space<hbm>>
      tpu.enqueue_dma source(%dma_start3A_68 : memref<632x64xf32, #tpu.memory_space<hbm>>) target(%dma_start3A_66 : memref<632x64xf32, #tpu.memory_space<vmem_shared>>) target_semaphore(%run_scoped3A : memref<!tpu.dma_semaphore, #tpu.memory_space<semaphore_mem>>)
      %dma_wait3A_69 = arith.constant 0 : i32
      %dma_wait3A_70 = tpu.memref_slice %arg10[%mul3A_0, %dma_wait3A_69] : memref<10112x64xf32, #tpu.memory_space<vmem_shared>> -> memref<632x64xf32, #tpu.memory_space<vmem_shared>>
      %dma_wait3A_71 = arith.constant 0 : i32
      %dma_wait3A_72 = tpu.memref_slice %arg2[%mul3A_0, %dma_wait3A_71] : memref<10112x64xf32, #tpu.memory_space<hbm>> -> memref<632x64xf32, #tpu.memory_space<hbm>>
      tpu.wait_dma2 semaphore(%run_scoped3A : memref<!tpu.dma_semaphore, #tpu.memory_space<semaphore_mem>>) src(%dma_wait3A_72 : memref<632x64xf32, #tpu.memory_space<hbm>>) dst(%dma_wait3A_70 : memref<632x64xf32, #tpu.memory_space<vmem_shared>>)
      tpu.yield
    }) : () -> ()
    %barrier3A = arith.constant 0 : index
    tpu.barrier barrier_id(%barrier3A)
    %dma_start3A = arith.constant 0 : i32
    %dma_start3A_12 = arith.constant 0 : i32
    %dma_start3A_13 = tpu.memref_slice %arg6[%dma_start3A, %dma_start3A_12] : memref<72x256xi32, #tpu.memory_space<vmem>> -> memref<1x256xi32, #tpu.memory_space<vmem>>
    %dma_start3A_14 = tpu.memref_squeeze %dma_start3A_13 : memref<1x256xi32, #tpu.memory_space<vmem>> -> memref<256xi32, #tpu.memory_space<vmem>>
    %dma_start3A_15 = arith.constant 0 : i32
    %dma_start3A_16 = arith.constant 0 : i32
    %dma_start3A_17 = tpu.memref_slice %arg2[%dma_start3A_15, %dma_start3A_16] : memref<10112x64xf32, #tpu.memory_space<hbm>> -> memref<10112x64xf32, #tpu.memory_space<hbm>>
    tpu.enqueue_indirect_dma source(%dma_start3A_17 : memref<10112x64xf32, #tpu.memory_space<hbm>>) target(%arg8 : memref<256x64xf32, #tpu.memory_space<vmem>>) offsets(%dma_start3A_14 : memref<256xi32, #tpu.memory_space<vmem>>) semaphore(%arg11 : memref<!tpu.dma_semaphore, #tpu.memory_space<semaphore_mem>>)
    %dma_start3A_18 = arith.constant 1 : i32
    %dma_start3A_19 = arith.constant 0 : i32
    %dma_start3A_20 = tpu.memref_slice %arg6[%dma_start3A_18, %dma_start3A_19] : memref<72x256xi32, #tpu.memory_space<vmem>> -> memref<1x256xi32, #tpu.memory_space<vmem>>
    %dma_start3A_21 = tpu.memref_squeeze %dma_start3A_20 : memref<1x256xi32, #tpu.memory_space<vmem>> -> memref<256xi32, #tpu.memory_space<vmem>>
    %dma_start3A_22 = arith.constant 0 : i32
    %dma_start3A_23 = arith.constant 0 : i32
    %dma_start3A_24 = tpu.memref_slice %arg2[%dma_start3A_22, %dma_start3A_23] : memref<10112x64xf32, #tpu.memory_space<hbm>> -> memref<10112x64xf32, #tpu.memory_space<hbm>>
    tpu.enqueue_indirect_dma source(%dma_start3A_24 : memref<10112x64xf32, #tpu.memory_space<hbm>>) target(%arg9 : memref<256x64xf32, #tpu.memory_space<vmem>>) offsets(%dma_start3A_21 : memref<256xi32, #tpu.memory_space<vmem>>) semaphore(%arg12 : memref<!tpu.dma_semaphore, #tpu.memory_space<semaphore_mem>>)
    %jit3A = arith.constant 2 : i32
    %div3A = arith.divsi %select_n3A_3, %jit3A : i32
    %sign3A = arith.constant 0 : i32
    %sign3A_25 = arith.cmpi sgt, %select_n3A_3, %sign3A : i32
    %sign3A_26 = arith.extui %sign3A_25 : i1 to i32
    %sign3A_27 = arith.constant 0 : i32
    %sign3A_28 = arith.cmpi slt, %select_n3A_3, %sign3A_27 : i32
    %sign3A_29 = arith.extui %sign3A_28 : i1 to i32
    %sign3A_30 = arith.subi %sign3A_26, %sign3A_29 : i32
    %sign3A_31 = arith.constant 0 : i32
    %sign3A_32 = arith.cmpi sgt, %jit3A, %sign3A_31 : i32
    %sign3A_33 = arith.extui %sign3A_32 : i1 to i32
    %sign3A_34 = arith.constant 0 : i32
    %sign3A_35 = arith.cmpi slt, %jit3A, %sign3A_34 : i32
    %sign3A_36 = arith.extui %sign3A_35 : i1 to i32
    %sign3A_37 = arith.subi %sign3A_33, %sign3A_36 : i32
    %ne3A = arith.cmpi ne, %sign3A_30, %sign3A_37 : i32
    %rem3A = arith.remsi %select_n3A_3, %jit3A : i32
    %ne3A_38 = arith.constant 0 : i32
    %ne3A_39 = arith.cmpi ne, %rem3A, %ne3A_38 : i32
    %and3A = arith.andi %ne3A, %ne3A_39 : i1
    %sub3A = arith.constant 1 : i32
    %sub3A_40 = arith.subi %div3A, %sub3A : i32
    %select_n3A_41 = arith.select %and3A, %sub3A_40, %div3A : i32
    %while3A = arith.constant 0 : i32
    %while3A_42 = arith.constant 0 : i32
    %while3A_43 = arith.subi %select_n3A_41, %while3A_42 : i32
    %while3A_44 = arith.addi %while3A_42, %while3A_43 : i32
    %while3A_45 = arith.constant 1 : i32
    %while3A_46 = arith.divsi %while3A_43, %while3A_45 : i32
    %while3A_47 = arith.muli %while3A_46, %while3A_45 : i32
    %while3A_48 = arith.addi %while3A_42, %while3A_47 : i32
    %while3A_49 = arith.constant 1 : i32
    scf.for %while3A_65 = %while3A_42 to %while3A_48 step %while3A_49  : i32 {
      %mul3A_66 = arith.constant 2 : i32
      %mul3A_67 = arith.muli %mul3A_66, %while3A_65 : i32
      %dma_wait3A_68 = arith.constant 0 : i32
      %dma_wait3A_69 = tpu.memref_slice %arg6[%mul3A_67, %dma_wait3A_68] : memref<72x256xi32, #tpu.memory_space<vmem>> -> memref<1x256xi32, #tpu.memory_space<vmem>>
      %dma_wait3A_70 = tpu.memref_squeeze %dma_wait3A_69 : memref<1x256xi32, #tpu.memory_space<vmem>> -> memref<256xi32, #tpu.memory_space<vmem>>
      %dma_wait3A_71 = arith.constant 0 : i32
      %dma_wait3A_72 = arith.constant 0 : i32
      %dma_wait3A_73 = tpu.memref_slice %arg2[%dma_wait3A_71, %dma_wait3A_72] : memref<10112x64xf32, #tpu.memory_space<hbm>> -> memref<10112x64xf32, #tpu.memory_space<hbm>>
      tpu.wait_indirect_dma semaphore(%arg11 : memref<!tpu.dma_semaphore, #tpu.memory_space<semaphore_mem>>) src(%dma_wait3A_73 : memref<10112x64xf32, #tpu.memory_space<hbm>>) dst(%arg8 : memref<256x64xf32, #tpu.memory_space<vmem>>)
      %dma_start3A_74 = arith.constant 0 : i32
      %dma_start3A_75 = tpu.memref_slice %arg7[%mul3A_67, %dma_start3A_74] : memref<72x256xi32, #tpu.memory_space<vmem>> -> memref<1x256xi32, #tpu.memory_space<vmem>>
      %dma_start3A_76 = tpu.memref_squeeze %dma_start3A_75 : memref<1x256xi32, #tpu.memory_space<vmem>> -> memref<256xi32, #tpu.memory_space<vmem>>
      %dma_start3A_77 = arith.constant 0 : i32
      %dma_start3A_78 = arith.constant 0 : i32
      %dma_start3A_79 = tpu.memref_slice %arg10[%dma_start3A_77, %dma_start3A_78] : memref<10112x64xf32, #tpu.memory_space<vmem_shared>> -> memref<10112x64xf32, #tpu.memory_space<vmem_shared>>
      tpu.enqueue_indirect_dma source(%arg8 : memref<256x64xf32, #tpu.memory_space<vmem>>) target(%dma_start3A_79 : memref<10112x64xf32, #tpu.memory_space<vmem_shared>>) offsets(%dma_start3A_76 : memref<256xi32, #tpu.memory_space<vmem>>) semaphore(%arg13 : memref<!tpu.dma_semaphore, #tpu.memory_space<semaphore_mem>>) {add = true}
      %add3A_80 = arith.constant 1 : i32
      %add3A_81 = arith.addi %mul3A_67, %add3A_80 : i32
      %dma_wait3A_82 = arith.constant 0 : i32
      %dma_wait3A_83 = tpu.memref_slice %arg6[%add3A_81, %dma_wait3A_82] : memref<72x256xi32, #tpu.memory_space<vmem>> -> memref<1x256xi32, #tpu.memory_space<vmem>>
      %dma_wait3A_84 = tpu.memref_squeeze %dma_wait3A_83 : memref<1x256xi32, #tpu.memory_space<vmem>> -> memref<256xi32, #tpu.memory_space<vmem>>
      %dma_wait3A_85 = arith.constant 0 : i32
      %dma_wait3A_86 = arith.constant 0 : i32
      %dma_wait3A_87 = tpu.memref_slice %arg2[%dma_wait3A_85, %dma_wait3A_86] : memref<10112x64xf32, #tpu.memory_space<hbm>> -> memref<10112x64xf32, #tpu.memory_space<hbm>>
      tpu.wait_indirect_dma semaphore(%arg12 : memref<!tpu.dma_semaphore, #tpu.memory_space<semaphore_mem>>) src(%dma_wait3A_87 : memref<10112x64xf32, #tpu.memory_space<hbm>>) dst(%arg9 : memref<256x64xf32, #tpu.memory_space<vmem>>)
      %add3A_88 = arith.constant 1 : i32
      %add3A_89 = arith.addi %mul3A_67, %add3A_88 : i32
      %dma_start3A_90 = arith.constant 0 : i32
      %dma_start3A_91 = tpu.memref_slice %arg7[%add3A_89, %dma_start3A_90] : memref<72x256xi32, #tpu.memory_space<vmem>> -> memref<1x256xi32, #tpu.memory_space<vmem>>
      %dma_start3A_92 = tpu.memref_squeeze %dma_start3A_91 : memref<1x256xi32, #tpu.memory_space<vmem>> -> memref<256xi32, #tpu.memory_space<vmem>>
      %dma_start3A_93 = arith.constant 0 : i32
      %dma_start3A_94 = arith.constant 0 : i32
      %dma_start3A_95 = tpu.memref_slice %arg10[%dma_start3A_93, %dma_start3A_94] : memref<10112x64xf32, #tpu.memory_space<vmem_shared>> -> memref<10112x64xf32, #tpu.memory_space<vmem_shared>>
      tpu.enqueue_indirect_dma source(%arg9 : memref<256x64xf32, #tpu.memory_space<vmem>>) target(%dma_start3A_95 : memref<10112x64xf32, #tpu.memory_space<vmem_shared>>) offsets(%dma_start3A_92 : memref<256xi32, #tpu.memory_space<vmem>>) semaphore(%arg14 : memref<!tpu.dma_semaphore, #tpu.memory_space<semaphore_mem>>) {add = true}
      %add3A_96 = arith.constant 2 : i32
      %add3A_97 = arith.addi %mul3A_67, %add3A_96 : i32
      %lt3A = arith.cmpi slt, %add3A_97, %select_n3A_3 : i32
      %convert_element_type3A = arith.extui %lt3A : i1 to i32
      %cond3A = arith.constant 0 : i32
      %cond3A_98 = arith.cmpi ne, %convert_element_type3A, %cond3A : i32
      scf.if %cond3A_98 {
        %dma_wait3A_99 = arith.constant 0 : i32
        %dma_wait3A_100 = tpu.memref_slice %arg7[%mul3A_67, %dma_wait3A_99] : memref<72x256xi32, #tpu.memory_space<vmem>> -> memref<1x256xi32, #tpu.memory_space<vmem>>
        %dma_wait3A_101 = tpu.memref_squeeze %dma_wait3A_100 : memref<1x256xi32, #tpu.memory_space<vmem>> -> memref<256xi32, #tpu.memory_space<vmem>>
        %dma_wait3A_102 = arith.constant 0 : i32
        %dma_wait3A_103 = arith.constant 0 : i32
        %dma_wait3A_104 = tpu.memref_slice %arg10[%dma_wait3A_102, %dma_wait3A_103] : memref<10112x64xf32, #tpu.memory_space<vmem_shared>> -> memref<10112x64xf32, #tpu.memory_space<vmem_shared>>
        tpu.wait_indirect_dma semaphore(%arg13 : memref<!tpu.dma_semaphore, #tpu.memory_space<semaphore_mem>>) src(%arg8 : memref<256x64xf32, #tpu.memory_space<vmem>>) dst(%dma_wait3A_104 : memref<10112x64xf32, #tpu.memory_space<vmem_shared>>)
        %add3A_105 = arith.constant 2 : i32
        %add3A_106 = arith.addi %mul3A_67, %add3A_105 : i32
        %dma_start3A_107 = arith.constant 0 : i32
        %dma_start3A_108 = tpu.memref_slice %arg6[%add3A_106, %dma_start3A_107] : memref<72x256xi32, #tpu.memory_space<vmem>> -> memref<1x256xi32, #tpu.memory_space<vmem>>
        %dma_start3A_109 = tpu.memref_squeeze %dma_start3A_108 : memref<1x256xi32, #tpu.memory_space<vmem>> -> memref<256xi32, #tpu.memory_space<vmem>>
        %dma_start3A_110 = arith.constant 0 : i32
        %dma_start3A_111 = arith.constant 0 : i32
        %dma_start3A_112 = tpu.memref_slice %arg2[%dma_start3A_110, %dma_start3A_111] : memref<10112x64xf32, #tpu.memory_space<hbm>> -> memref<10112x64xf32, #tpu.memory_space<hbm>>
        tpu.enqueue_indirect_dma source(%dma_start3A_112 : memref<10112x64xf32, #tpu.memory_space<hbm>>) target(%arg8 : memref<256x64xf32, #tpu.memory_space<vmem>>) offsets(%dma_start3A_109 : memref<256xi32, #tpu.memory_space<vmem>>) semaphore(%arg11 : memref<!tpu.dma_semaphore, #tpu.memory_space<semaphore_mem>>)
        %add3A_113 = arith.constant 1 : i32
        %add3A_114 = arith.addi %mul3A_67, %add3A_113 : i32
        %dma_wait3A_115 = arith.constant 0 : i32
        %dma_wait3A_116 = tpu.memref_slice %arg7[%add3A_114, %dma_wait3A_115] : memref<72x256xi32, #tpu.memory_space<vmem>> -> memref<1x256xi32, #tpu.memory_space<vmem>>
        %dma_wait3A_117 = tpu.memref_squeeze %dma_wait3A_116 : memref<1x256xi32, #tpu.memory_space<vmem>> -> memref<256xi32, #tpu.memory_space<vmem>>
        %dma_wait3A_118 = arith.constant 0 : i32
        %dma_wait3A_119 = arith.constant 0 : i32
        %dma_wait3A_120 = tpu.memref_slice %arg10[%dma_wait3A_118, %dma_wait3A_119] : memref<10112x64xf32, #tpu.memory_space<vmem_shared>> -> memref<10112x64xf32, #tpu.memory_space<vmem_shared>>
        tpu.wait_indirect_dma semaphore(%arg14 : memref<!tpu.dma_semaphore, #tpu.memory_space<semaphore_mem>>) src(%arg9 : memref<256x64xf32, #tpu.memory_space<vmem>>) dst(%dma_wait3A_120 : memref<10112x64xf32, #tpu.memory_space<vmem_shared>>)
        %add3A_121 = arith.constant 3 : i32
        %add3A_122 = arith.addi %mul3A_67, %add3A_121 : i32
        %dma_start3A_123 = arith.constant 0 : i32
        %dma_start3A_124 = tpu.memref_slice %arg6[%add3A_122, %dma_start3A_123] : memref<72x256xi32, #tpu.memory_space<vmem>> -> memref<1x256xi32, #tpu.memory_space<vmem>>
        %dma_start3A_125 = tpu.memref_squeeze %dma_start3A_124 : memref<1x256xi32, #tpu.memory_space<vmem>> -> memref<256xi32, #tpu.memory_space<vmem>>
        %dma_start3A_126 = arith.constant 0 : i32
        %dma_start3A_127 = arith.constant 0 : i32
        %dma_start3A_128 = tpu.memref_slice %arg2[%dma_start3A_126, %dma_start3A_127] : memref<10112x64xf32, #tpu.memory_space<hbm>> -> memref<10112x64xf32, #tpu.memory_space<hbm>>
        tpu.enqueue_indirect_dma source(%dma_start3A_128 : memref<10112x64xf32, #tpu.memory_space<hbm>>) target(%arg9 : memref<256x64xf32, #tpu.memory_space<vmem>>) offsets(%dma_start3A_125 : memref<256xi32, #tpu.memory_space<vmem>>) semaphore(%arg12 : memref<!tpu.dma_semaphore, #tpu.memory_space<semaphore_mem>>)
      } else {
      }
    }
    %while3A_50 = arith.constant 1 : i32
    scf.for %while3A_65 = %while3A_48 to %while3A_44 step %while3A_50  : i32 {
      %mul3A_66 = arith.constant 2 : i32
      %mul3A_67 = arith.muli %mul3A_66, %while3A_65 : i32
      %dma_wait3A_68 = arith.constant 0 : i32
      %dma_wait3A_69 = tpu.memref_slice %arg6[%mul3A_67, %dma_wait3A_68] : memref<72x256xi32, #tpu.memory_space<vmem>> -> memref<1x256xi32, #tpu.memory_space<vmem>>
      %dma_wait3A_70 = tpu.memref_squeeze %dma_wait3A_69 : memref<1x256xi32, #tpu.memory_space<vmem>> -> memref<256xi32, #tpu.memory_space<vmem>>
      %dma_wait3A_71 = arith.constant 0 : i32
      %dma_wait3A_72 = arith.constant 0 : i32
      %dma_wait3A_73 = tpu.memref_slice %arg2[%dma_wait3A_71, %dma_wait3A_72] : memref<10112x64xf32, #tpu.memory_space<hbm>> -> memref<10112x64xf32, #tpu.memory_space<hbm>>
      tpu.wait_indirect_dma semaphore(%arg11 : memref<!tpu.dma_semaphore, #tpu.memory_space<semaphore_mem>>) src(%dma_wait3A_73 : memref<10112x64xf32, #tpu.memory_space<hbm>>) dst(%arg8 : memref<256x64xf32, #tpu.memory_space<vmem>>)
      %dma_start3A_74 = arith.constant 0 : i32
      %dma_start3A_75 = tpu.memref_slice %arg7[%mul3A_67, %dma_start3A_74] : memref<72x256xi32, #tpu.memory_space<vmem>> -> memref<1x256xi32, #tpu.memory_space<vmem>>
      %dma_start3A_76 = tpu.memref_squeeze %dma_start3A_75 : memref<1x256xi32, #tpu.memory_space<vmem>> -> memref<256xi32, #tpu.memory_space<vmem>>
      %dma_start3A_77 = arith.constant 0 : i32
      %dma_start3A_78 = arith.constant 0 : i32
      %dma_start3A_79 = tpu.memref_slice %arg10[%dma_start3A_77, %dma_start3A_78] : memref<10112x64xf32, #tpu.memory_space<vmem_shared>> -> memref<10112x64xf32, #tpu.memory_space<vmem_shared>>
      tpu.enqueue_indirect_dma source(%arg8 : memref<256x64xf32, #tpu.memory_space<vmem>>) target(%dma_start3A_79 : memref<10112x64xf32, #tpu.memory_space<vmem_shared>>) offsets(%dma_start3A_76 : memref<256xi32, #tpu.memory_space<vmem>>) semaphore(%arg13 : memref<!tpu.dma_semaphore, #tpu.memory_space<semaphore_mem>>) {add = true}
      %add3A_80 = arith.constant 1 : i32
      %add3A_81 = arith.addi %mul3A_67, %add3A_80 : i32
      %dma_wait3A_82 = arith.constant 0 : i32
      %dma_wait3A_83 = tpu.memref_slice %arg6[%add3A_81, %dma_wait3A_82] : memref<72x256xi32, #tpu.memory_space<vmem>> -> memref<1x256xi32, #tpu.memory_space<vmem>>
      %dma_wait3A_84 = tpu.memref_squeeze %dma_wait3A_83 : memref<1x256xi32, #tpu.memory_space<vmem>> -> memref<256xi32, #tpu.memory_space<vmem>>
      %dma_wait3A_85 = arith.constant 0 : i32
      %dma_wait3A_86 = arith.constant 0 : i32
      %dma_wait3A_87 = tpu.memref_slice %arg2[%dma_wait3A_85, %dma_wait3A_86] : memref<10112x64xf32, #tpu.memory_space<hbm>> -> memref<10112x64xf32, #tpu.memory_space<hbm>>
      tpu.wait_indirect_dma semaphore(%arg12 : memref<!tpu.dma_semaphore, #tpu.memory_space<semaphore_mem>>) src(%dma_wait3A_87 : memref<10112x64xf32, #tpu.memory_space<hbm>>) dst(%arg9 : memref<256x64xf32, #tpu.memory_space<vmem>>)
      %add3A_88 = arith.constant 1 : i32
      %add3A_89 = arith.addi %mul3A_67, %add3A_88 : i32
      %dma_start3A_90 = arith.constant 0 : i32
      %dma_start3A_91 = tpu.memref_slice %arg7[%add3A_89, %dma_start3A_90] : memref<72x256xi32, #tpu.memory_space<vmem>> -> memref<1x256xi32, #tpu.memory_space<vmem>>
      %dma_start3A_92 = tpu.memref_squeeze %dma_start3A_91 : memref<1x256xi32, #tpu.memory_space<vmem>> -> memref<256xi32, #tpu.memory_space<vmem>>
      %dma_start3A_93 = arith.constant 0 : i32
      %dma_start3A_94 = arith.constant 0 : i32
      %dma_start3A_95 = tpu.memref_slice %arg10[%dma_start3A_93, %dma_start3A_94] : memref<10112x64xf32, #tpu.memory_space<vmem_shared>> -> memref<10112x64xf32, #tpu.memory_space<vmem_shared>>
      tpu.enqueue_indirect_dma source(%arg9 : memref<256x64xf32, #tpu.memory_space<vmem>>) target(%dma_start3A_95 : memref<10112x64xf32, #tpu.memory_space<vmem_shared>>) offsets(%dma_start3A_92 : memref<256xi32, #tpu.memory_space<vmem>>) semaphore(%arg14 : memref<!tpu.dma_semaphore, #tpu.memory_space<semaphore_mem>>) {add = true}
      %add3A_96 = arith.constant 2 : i32
      %add3A_97 = arith.addi %mul3A_67, %add3A_96 : i32
      %lt3A = arith.cmpi slt, %add3A_97, %select_n3A_3 : i32
      %convert_element_type3A = arith.extui %lt3A : i1 to i32
      %cond3A = arith.constant 0 : i32
      %cond3A_98 = arith.cmpi ne, %convert_element_type3A, %cond3A : i32
      scf.if %cond3A_98 {
        %dma_wait3A_99 = arith.constant 0 : i32
        %dma_wait3A_100 = tpu.memref_slice %arg7[%mul3A_67, %dma_wait3A_99] : memref<72x256xi32, #tpu.memory_space<vmem>> -> memref<1x256xi32, #tpu.memory_space<vmem>>
        %dma_wait3A_101 = tpu.memref_squeeze %dma_wait3A_100 : memref<1x256xi32, #tpu.memory_space<vmem>> -> memref<256xi32, #tpu.memory_space<vmem>>
        %dma_wait3A_102 = arith.constant 0 : i32
        %dma_wait3A_103 = arith.constant 0 : i32
        %dma_wait3A_104 = tpu.memref_slice %arg10[%dma_wait3A_102, %dma_wait3A_103] : memref<10112x64xf32, #tpu.memory_space<vmem_shared>> -> memref<10112x64xf32, #tpu.memory_space<vmem_shared>>
        tpu.wait_indirect_dma semaphore(%arg13 : memref<!tpu.dma_semaphore, #tpu.memory_space<semaphore_mem>>) src(%arg8 : memref<256x64xf32, #tpu.memory_space<vmem>>) dst(%dma_wait3A_104 : memref<10112x64xf32, #tpu.memory_space<vmem_shared>>)
        %add3A_105 = arith.constant 2 : i32
        %add3A_106 = arith.addi %mul3A_67, %add3A_105 : i32
        %dma_start3A_107 = arith.constant 0 : i32
        %dma_start3A_108 = tpu.memref_slice %arg6[%add3A_106, %dma_start3A_107] : memref<72x256xi32, #tpu.memory_space<vmem>> -> memref<1x256xi32, #tpu.memory_space<vmem>>
        %dma_start3A_109 = tpu.memref_squeeze %dma_start3A_108 : memref<1x256xi32, #tpu.memory_space<vmem>> -> memref<256xi32, #tpu.memory_space<vmem>>
        %dma_start3A_110 = arith.constant 0 : i32
        %dma_start3A_111 = arith.constant 0 : i32
        %dma_start3A_112 = tpu.memref_slice %arg2[%dma_start3A_110, %dma_start3A_111] : memref<10112x64xf32, #tpu.memory_space<hbm>> -> memref<10112x64xf32, #tpu.memory_space<hbm>>
        tpu.enqueue_indirect_dma source(%dma_start3A_112 : memref<10112x64xf32, #tpu.memory_space<hbm>>) target(%arg8 : memref<256x64xf32, #tpu.memory_space<vmem>>) offsets(%dma_start3A_109 : memref<256xi32, #tpu.memory_space<vmem>>) semaphore(%arg11 : memref<!tpu.dma_semaphore, #tpu.memory_space<semaphore_mem>>)
        %add3A_113 = arith.constant 1 : i32
        %add3A_114 = arith.addi %mul3A_67, %add3A_113 : i32
        %dma_wait3A_115 = arith.constant 0 : i32
        %dma_wait3A_116 = tpu.memref_slice %arg7[%add3A_114, %dma_wait3A_115] : memref<72x256xi32, #tpu.memory_space<vmem>> -> memref<1x256xi32, #tpu.memory_space<vmem>>
        %dma_wait3A_117 = tpu.memref_squeeze %dma_wait3A_116 : memref<1x256xi32, #tpu.memory_space<vmem>> -> memref<256xi32, #tpu.memory_space<vmem>>
        %dma_wait3A_118 = arith.constant 0 : i32
        %dma_wait3A_119 = arith.constant 0 : i32
        %dma_wait3A_120 = tpu.memref_slice %arg10[%dma_wait3A_118, %dma_wait3A_119] : memref<10112x64xf32, #tpu.memory_space<vmem_shared>> -> memref<10112x64xf32, #tpu.memory_space<vmem_shared>>
        tpu.wait_indirect_dma semaphore(%arg14 : memref<!tpu.dma_semaphore, #tpu.memory_space<semaphore_mem>>) src(%arg9 : memref<256x64xf32, #tpu.memory_space<vmem>>) dst(%dma_wait3A_120 : memref<10112x64xf32, #tpu.memory_space<vmem_shared>>)
        %add3A_121 = arith.constant 3 : i32
        %add3A_122 = arith.addi %mul3A_67, %add3A_121 : i32
        %dma_start3A_123 = arith.constant 0 : i32
        %dma_start3A_124 = tpu.memref_slice %arg6[%add3A_122, %dma_start3A_123] : memref<72x256xi32, #tpu.memory_space<vmem>> -> memref<1x256xi32, #tpu.memory_space<vmem>>
        %dma_start3A_125 = tpu.memref_squeeze %dma_start3A_124 : memref<1x256xi32, #tpu.memory_space<vmem>> -> memref<256xi32, #tpu.memory_space<vmem>>
        %dma_start3A_126 = arith.constant 0 : i32
        %dma_start3A_127 = arith.constant 0 : i32
        %dma_start3A_128 = tpu.memref_slice %arg2[%dma_start3A_126, %dma_start3A_127] : memref<10112x64xf32, #tpu.memory_space<hbm>> -> memref<10112x64xf32, #tpu.memory_space<hbm>>
        tpu.enqueue_indirect_dma source(%dma_start3A_128 : memref<10112x64xf32, #tpu.memory_space<hbm>>) target(%arg9 : memref<256x64xf32, #tpu.memory_space<vmem>>) offsets(%dma_start3A_125 : memref<256xi32, #tpu.memory_space<vmem>>) semaphore(%arg12 : memref<!tpu.dma_semaphore, #tpu.memory_space<semaphore_mem>>)
      } else {
      }
    }
    %dma_wait3A = arith.constant 0 : i32
    %dma_wait3A_51 = arith.constant 0 : i32
    %dma_wait3A_52 = tpu.memref_slice %arg7[%dma_wait3A, %dma_wait3A_51] : memref<72x256xi32, #tpu.memory_space<vmem>> -> memref<1x256xi32, #tpu.memory_space<vmem>>
    %dma_wait3A_53 = tpu.memref_squeeze %dma_wait3A_52 : memref<1x256xi32, #tpu.memory_space<vmem>> -> memref<256xi32, #tpu.memory_space<vmem>>
    %dma_wait3A_54 = arith.constant 0 : i32
    %dma_wait3A_55 = arith.constant 0 : i32
    %dma_wait3A_56 = tpu.memref_slice %arg10[%dma_wait3A_54, %dma_wait3A_55] : memref<10112x64xf32, #tpu.memory_space<vmem_shared>> -> memref<10112x64xf32, #tpu.memory_space<vmem_shared>>
    tpu.wait_indirect_dma semaphore(%arg13 : memref<!tpu.dma_semaphore, #tpu.memory_space<semaphore_mem>>) src(%arg8 : memref<256x64xf32, #tpu.memory_space<vmem>>) dst(%dma_wait3A_56 : memref<10112x64xf32, #tpu.memory_space<vmem_shared>>)
    %dma_wait3A_57 = arith.constant 0 : i32
    %dma_wait3A_58 = arith.constant 0 : i32
    %dma_wait3A_59 = tpu.memref_slice %arg7[%dma_wait3A_57, %dma_wait3A_58] : memref<72x256xi32, #tpu.memory_space<vmem>> -> memref<1x256xi32, #tpu.memory_space<vmem>>
    %dma_wait3A_60 = tpu.memref_squeeze %dma_wait3A_59 : memref<1x256xi32, #tpu.memory_space<vmem>> -> memref<256xi32, #tpu.memory_space<vmem>>
    %dma_wait3A_61 = arith.constant 0 : i32
    %dma_wait3A_62 = arith.constant 0 : i32
    %dma_wait3A_63 = tpu.memref_slice %arg10[%dma_wait3A_61, %dma_wait3A_62] : memref<10112x64xf32, #tpu.memory_space<vmem_shared>> -> memref<10112x64xf32, #tpu.memory_space<vmem_shared>>
    tpu.wait_indirect_dma semaphore(%arg14 : memref<!tpu.dma_semaphore, #tpu.memory_space<semaphore_mem>>) src(%arg9 : memref<256x64xf32, #tpu.memory_space<vmem>>) dst(%dma_wait3A_63 : memref<10112x64xf32, #tpu.memory_space<vmem_shared>>)
    %barrier3A_64 = arith.constant 0 : index
    tpu.barrier barrier_id(%barrier3A_64)
    "tpu.region"() ({
      %run_scoped3A = tpu.sem_alloc : memref<!tpu.dma_semaphore, #tpu.memory_space<semaphore_mem>>
      %dma_start3A_65 = arith.constant 0 : i32
      %dma_start3A_66 = tpu.memref_slice %arg5[%arg0, %mul3A_0, %dma_start3A_65] : memref<2x10112x64xf32, #tpu.memory_space<hbm>> -> memref<1x632x64xf32, #tpu.memory_space<hbm>>
      %dma_start3A_67 = tpu.memref_squeeze %dma_start3A_66 : memref<1x632x64xf32, #tpu.memory_space<hbm>> -> memref<632x64xf32, #tpu.memory_space<hbm>>
      %dma_start3A_68 = arith.constant 0 : i32
      %dma_start3A_69 = tpu.memref_slice %arg10[%mul3A_0, %dma_start3A_68] : memref<10112x64xf32, #tpu.memory_space<vmem_shared>> -> memref<632x64xf32, #tpu.memory_space<vmem_shared>>
      tpu.enqueue_dma source(%dma_start3A_69 : memref<632x64xf32, #tpu.memory_space<vmem_shared>>) target(%dma_start3A_67 : memref<632x64xf32, #tpu.memory_space<hbm>>) target_semaphore(%run_scoped3A : memref<!tpu.dma_semaphore, #tpu.memory_space<semaphore_mem>>)
      %dma_wait3A_70 = arith.constant 0 : i32
      %dma_wait3A_71 = tpu.memref_slice %arg5[%arg0, %mul3A_0, %dma_wait3A_70] : memref<2x10112x64xf32, #tpu.memory_space<hbm>> -> memref<1x632x64xf32, #tpu.memory_space<hbm>>
      %dma_wait3A_72 = tpu.memref_squeeze %dma_wait3A_71 : memref<1x632x64xf32, #tpu.memory_space<hbm>> -> memref<632x64xf32, #tpu.memory_space<hbm>>
      %dma_wait3A_73 = arith.constant 0 : i32
      %dma_wait3A_74 = tpu.memref_slice %arg10[%mul3A_0, %dma_wait3A_73] : memref<10112x64xf32, #tpu.memory_space<vmem_shared>> -> memref<632x64xf32, #tpu.memory_space<vmem_shared>>
      tpu.wait_dma2 semaphore(%run_scoped3A : memref<!tpu.dma_semaphore, #tpu.memory_space<semaphore_mem>>) src(%dma_wait3A_74 : memref<632x64xf32, #tpu.memory_space<vmem_shared>>) dst(%dma_wait3A_72 : memref<632x64xf32, #tpu.memory_space<hbm>>)
      tpu.yield
    }) : () -> ()
    return
  }
}

module attributes {stable_mosaic.version = 14 : i64} {
  func.func @_tc_a_body(%arg0: memref<32x10000xf32, #tpu.memory_space<vmem>>, %arg1: memref<10112x128xf32, #tpu.memory_space<vmem>>, %arg2: memref<128x64xf32, #tpu.memory_space<vmem>>, %arg3: memref<10112x64xf32, #tpu.memory_space<vmem>>, %arg4: memref<10112x1xf32, #tpu.memory_space<vmem>>) attributes {dimension_semantics = [], scalar_prefetch = 0 : i64, scratch_operands = 0 : i64, tpu.core_type = #tpu.core_type<tc>} {
    %get3A = arith.constant 0 : index
    %get3A_0 = arith.constant 0 : index
    %get3A_1 = vector.load %arg0[%get3A, %get3A_0] : memref<32x10000xf32, #tpu.memory_space<vmem>>, vector<32x10000xf32>
    %broadcast_in_dim3A = arith.constant 1.000000e+00 : f32
    %broadcast_in_dim3A_2 = vector.broadcast %broadcast_in_dim3A : f32 to vector<32x1xf32>
    %dot_general3A = arith.constant dense<0.000000e+00> : vector<10000x1xf32>
    %dot_general3A_3 = tpu.matmul %get3A_1, %broadcast_in_dim3A_2, %dot_general3A {dimension_numbers = #tpu.dot_dimension_numbers<[0], [0], [1], [1], [0, 1, 1, 1], [], []>, transpose_lhs_hint = false} : vector<32x10000xf32>, vector<32x1xf32>, vector<10000x1xf32> -> vector<10000x1xf32>
    %add3A = arith.constant 1.000000e+00 : f32
    %add3A_4 = vector.broadcast %add3A : f32 to vector<10000x1xf32>
    %add3A_5 = arith.addf %dot_general3A_3, %add3A_4 : vector<10000x1xf32>
    %rsqrt3A = math.rsqrt %add3A_5 : vector<10000x1xf32>
    %broadcast_in_dim3A_6 = arith.constant 0.000000e+00 : f32
    %broadcast_in_dim3A_7 = vector.broadcast %broadcast_in_dim3A_6 : f32 to vector<112x1xf32>
    %concatenate3A = tpu.concatenate %rsqrt3A, %broadcast_in_dim3A_7 in 0 : vector<10000x1xf32>, vector<112x1xf32> -> vector<10112x1xf32>
    %get3A_8 = arith.constant 0 : index
    %get3A_9 = arith.constant 0 : index
    %get3A_10 = vector.load %arg1[%get3A_8, %get3A_9] : memref<10112x128xf32, #tpu.memory_space<vmem>>, vector<10112x128xf32>
    %get3A_11 = arith.constant 0 : index
    %get3A_12 = arith.constant 0 : index
    %get3A_13 = vector.load %arg2[%get3A_11, %get3A_12] : memref<128x64xf32, #tpu.memory_space<vmem>>, vector<128x64xf32>
    %dot_general3A_14 = arith.constant dense<0.000000e+00> : vector<10112x64xf32>
    %dot_general3A_15 = tpu.matmul %get3A_10, %get3A_13, %dot_general3A_14 {dimension_numbers = #tpu.dot_dimension_numbers<[1], [0], [0], [1], [0, 0, 1, 1], [], []>, transpose_lhs_hint = false} : vector<10112x128xf32>, vector<128x64xf32>, vector<10112x64xf32> -> vector<10112x64xf32>
    %mul3A = vector.broadcast %concatenate3A : vector<10112x1xf32> to vector<10112x64xf32>
    %mul3A_16 = arith.mulf %dot_general3A_15, %mul3A : vector<10112x64xf32>
    %swap3A = arith.constant 0 : index
    %swap3A_17 = arith.constant 0 : index
    %swap3A_18 = vector.load %arg3[%swap3A, %swap3A_17] : memref<10112x64xf32, #tpu.memory_space<vmem>>, vector<10112x64xf32>
    tpu.vector_store %arg3[%swap3A, %swap3A_17], %mul3A_16 {strides = array<i32>} : memref<10112x64xf32, #tpu.memory_space<vmem>>, vector<10112x64xf32>,
    %swap3A_19 = arith.constant 0 : index
    %swap3A_20 = arith.constant 0 : index
    %swap3A_21 = vector.load %arg4[%swap3A_19, %swap3A_20] : memref<10112x1xf32, #tpu.memory_space<vmem>>, vector<10112x1xf32>
    tpu.vector_store %arg4[%swap3A_19, %swap3A_20], %concatenate3A {strides = array<i32>} : memref<10112x1xf32, #tpu.memory_space<vmem>>, vector<10112x1xf32>,
    return
  }
}

module attributes {stable_mosaic.version = 14 : i64} {
  func.func @_tc_b_body(%arg0: memref<2x10112x64xf32, #tpu.memory_space<vmem>>, %arg1: memref<10112x64xf32, #tpu.memory_space<vmem>>, %arg2: memref<10112x1xf32, #tpu.memory_space<vmem>>, %arg3: memref<1x64xf32, #tpu.memory_space<vmem>>, %arg4: memref<64x40xf32, #tpu.memory_space<vmem>>, %arg5: memref<10112x40xf32, #tpu.memory_space<vmem>>) attributes {dimension_semantics = [], scalar_prefetch = 0 : i64, scratch_operands = 0 : i64, tpu.core_type = #tpu.core_type<tc>} {
    %get3A = arith.constant 0 : index
    %get3A_0 = arith.constant 0 : index
    %get3A_1 = arith.constant 0 : index
    %get3A_2 = vector.load %arg0[%get3A, %get3A_0, %get3A_1] : memref<2x10112x64xf32, #tpu.memory_space<vmem>>, vector<1x10112x64xf32>
    %get3A_3 = vector.shape_cast %get3A_2 : vector<1x10112x64xf32> to vector<10112x64xf32>
    %get3A_4 = arith.constant 1 : index
    %get3A_5 = arith.constant 0 : index
    %get3A_6 = arith.constant 0 : index
    %get3A_7 = vector.load %arg0[%get3A_4, %get3A_5, %get3A_6] : memref<2x10112x64xf32, #tpu.memory_space<vmem>>, vector<1x10112x64xf32>
    %get3A_8 = vector.shape_cast %get3A_7 : vector<1x10112x64xf32> to vector<10112x64xf32>
    %add3A = arith.addf %get3A_3, %get3A_8 : vector<10112x64xf32>
    %get3A_9 = arith.constant 0 : index
    %get3A_10 = arith.constant 0 : index
    %get3A_11 = vector.load %arg1[%get3A_9, %get3A_10] : memref<10112x64xf32, #tpu.memory_space<vmem>>, vector<10112x64xf32>
    %sub3A = arith.subf %add3A, %get3A_11 : vector<10112x64xf32>
    %get3A_12 = arith.constant 0 : index
    %get3A_13 = arith.constant 0 : index
    %get3A_14 = vector.load %arg2[%get3A_12, %get3A_13] : memref<10112x1xf32, #tpu.memory_space<vmem>>, vector<10112x1xf32>
    %mul3A = vector.broadcast %get3A_14 : vector<10112x1xf32> to vector<10112x64xf32>
    %mul3A_15 = arith.mulf %mul3A, %sub3A : vector<10112x64xf32>
    %get3A_16 = arith.constant 0 : index
    %get3A_17 = arith.constant 0 : index
    %get3A_18 = vector.load %arg3[%get3A_16, %get3A_17] : memref<1x64xf32, #tpu.memory_space<vmem>>, vector<1x64xf32>
    %add3A_19 = vector.broadcast %get3A_18 : vector<1x64xf32> to vector<10112x64xf32>
    %add3A_20 = arith.addf %mul3A_15, %add3A_19 : vector<10112x64xf32>
    %max3A = arith.constant 0.000000e+00 : f32
    %max3A_21 = vector.broadcast %max3A : f32 to vector<10112x64xf32>
    %max3A_22 = arith.maximumf %add3A_20, %max3A_21 : vector<10112x64xf32>
    %get3A_23 = arith.constant 0 : index
    %get3A_24 = arith.constant 0 : index
    %get3A_25 = vector.load %arg4[%get3A_23, %get3A_24] : memref<64x40xf32, #tpu.memory_space<vmem>>, vector<64x40xf32>
    %dot_general3A = arith.constant dense<0.000000e+00> : vector<10112x40xf32>
    %dot_general3A_26 = tpu.matmul %max3A_22, %get3A_25, %dot_general3A {dimension_numbers = #tpu.dot_dimension_numbers<[1], [0], [0], [1], [0, 0, 1, 1], [], []>, transpose_lhs_hint = false} : vector<10112x64xf32>, vector<64x40xf32>, vector<10112x40xf32> -> vector<10112x40xf32>
    %mul3A_27 = vector.broadcast %get3A_14 : vector<10112x1xf32> to vector<10112x40xf32>
    %mul3A_28 = arith.mulf %dot_general3A_26, %mul3A_27 : vector<10112x40xf32>
    %swap3A = arith.constant 0 : index
    %swap3A_29 = arith.constant 0 : index
    %swap3A_30 = vector.load %arg5[%swap3A, %swap3A_29] : memref<10112x40xf32, #tpu.memory_space<vmem>>, vector<10112x40xf32>
    tpu.vector_store %arg5[%swap3A, %swap3A_29], %mul3A_28 {strides = array<i32>} : memref<10112x40xf32, #tpu.memory_space<vmem>>, vector<10112x40xf32>,
    return
  }
}

module attributes {stable_mosaic.version = 14 : i64} {
  func.func @_tc_c_body(%arg0: memref<2x10112x40xf32, #tpu.memory_space<vmem>>, %arg1: memref<10112x40xf32, #tpu.memory_space<vmem>>, %arg2: memref<10112x1xf32, #tpu.memory_space<vmem>>, %arg3: memref<1x40xf32, #tpu.memory_space<vmem>>, %arg4: memref<10112x40xf32, #tpu.memory_space<vmem>>) attributes {dimension_semantics = [], scalar_prefetch = 0 : i64, scratch_operands = 0 : i64, tpu.core_type = #tpu.core_type<tc>} {
    %get3A = arith.constant 0 : index
    %get3A_0 = arith.constant 0 : index
    %get3A_1 = arith.constant 0 : index
    %get3A_2 = vector.load %arg0[%get3A, %get3A_0, %get3A_1] : memref<2x10112x40xf32, #tpu.memory_space<vmem>>, vector<1x10112x40xf32>
    %get3A_3 = vector.shape_cast %get3A_2 : vector<1x10112x40xf32> to vector<10112x40xf32>
    %get3A_4 = arith.constant 1 : index
    %get3A_5 = arith.constant 0 : index
    %get3A_6 = arith.constant 0 : index
    %get3A_7 = vector.load %arg0[%get3A_4, %get3A_5, %get3A_6] : memref<2x10112x40xf32, #tpu.memory_space<vmem>>, vector<1x10112x40xf32>
    %get3A_8 = vector.shape_cast %get3A_7 : vector<1x10112x40xf32> to vector<10112x40xf32>
    %add3A = arith.addf %get3A_3, %get3A_8 : vector<10112x40xf32>
    %get3A_9 = arith.constant 0 : index
    %get3A_10 = arith.constant 0 : index
    %get3A_11 = vector.load %arg1[%get3A_9, %get3A_10] : memref<10112x40xf32, #tpu.memory_space<vmem>>, vector<10112x40xf32>
    %sub3A = arith.subf %add3A, %get3A_11 : vector<10112x40xf32>
    %get3A_12 = arith.constant 0 : index
    %get3A_13 = arith.constant 0 : index
    %get3A_14 = vector.load %arg2[%get3A_12, %get3A_13] : memref<10112x1xf32, #tpu.memory_space<vmem>>, vector<10112x1xf32>
    %mul3A = vector.broadcast %get3A_14 : vector<10112x1xf32> to vector<10112x40xf32>
    %mul3A_15 = arith.mulf %mul3A, %sub3A : vector<10112x40xf32>
    %get3A_16 = arith.constant 0 : index
    %get3A_17 = arith.constant 0 : index
    %get3A_18 = vector.load %arg3[%get3A_16, %get3A_17] : memref<1x40xf32, #tpu.memory_space<vmem>>, vector<1x40xf32>
    %add3A_19 = vector.broadcast %get3A_18 : vector<1x40xf32> to vector<10112x40xf32>
    %add3A_20 = arith.addf %mul3A_15, %add3A_19 : vector<10112x40xf32>
    %reduce_max3A = arith.constant dense<0xFF800000> : vector<10112xf32>
    %reduce_max3A_21 = vector.multi_reduction <maximumf>, %add3A_20, %reduce_max3A [1] : vector<10112x40xf32> to vector<10112xf32>
    %broadcast_in_dim3A = vector.shape_cast %reduce_max3A_21 : vector<10112xf32> to vector<10112x1xf32>
    %sub3A_22 = vector.broadcast %broadcast_in_dim3A : vector<10112x1xf32> to vector<10112x40xf32>
    %sub3A_23 = arith.subf %add3A_20, %sub3A_22 : vector<10112x40xf32>
    %exp3A = math.exp %sub3A_23 : vector<10112x40xf32>
    %reduce_sum3A = arith.constant dense<0.000000e+00> : vector<10112xf32>
    %reduce_sum3A_24 = vector.multi_reduction <add>, %exp3A, %reduce_sum3A [1] : vector<10112x40xf32> to vector<10112xf32>
    %broadcast_in_dim3A_25 = vector.shape_cast %reduce_sum3A_24 : vector<10112xf32> to vector<10112x1xf32>
    %log3A = math.log %broadcast_in_dim3A_25 : vector<10112x1xf32>
    %sub3A_26 = vector.broadcast %log3A : vector<10112x1xf32> to vector<10112x40xf32>
    %sub3A_27 = arith.subf %sub3A_23, %sub3A_26 : vector<10112x40xf32>
    %swap3A = arith.constant 0 : index
    %swap3A_28 = arith.constant 0 : index
    %swap3A_29 = vector.load %arg4[%swap3A, %swap3A_28] : memref<10112x40xf32, #tpu.memory_space<vmem>>, vector<10112x40xf32>
    tpu.vector_store %arg4[%swap3A, %swap3A_28], %sub3A_27 {strides = array<i32>} : memref<10112x40xf32, #tpu.memory_space<vmem>>, vector<10112x40xf32>,
    return
  }
}

</mosaic_0001>

<sc_bundles>
// kernel: kernel.11.cloned.1.call-start
scs
__scs_entry_jumppad:
0x0: {  	(pc) =	sbr.rel $0x88, $3  }
0x1: {  	(tag) =	ssettag $0x0;
	lr =	simm.s32 $0x1  }
0x2: {  	[smem:$0x3F9B] =	sst lr;
	_ =	strace $0xD0000000  }
0x3: {  	_ = 	snop  }
0x4: {  	_ = 	snop  }
0x5: {  	_ = 	snop  }
0x6: {  	_ = 	snop  }
0x7: {  	_ = 	snop  }
__scs_overlays_trampoline_lowered:
0x8: {  	[smem:$0x3FAA] =	sst s0  }
0x9: {  	[smem:$0x3FAB] =	sst s1  }
0xa: {  	[smem:$0x3FAC] =	sst s2  }
0xb: {  	[smem:$0x3FAD] =	sst s3  }
0xc: {  	[smem:$0x3FAE] =	sst s4  }
0xd: {  	[smem:$0x3FAF] =	sst s5  }
0xe: {  	[smem:$0x3FB0] =	sst s6  }
0xf: {  	[smem:$0x3FB1] =	sst s7  }
0x10: {  	[smem:$0x3FB2] =	sst s8  }
0x11: {  	[smem:$0x3FB3] =	sst s9;
	s0 =	simm.s32 @!p0 $0x0  }
0x12: {  	s1 =	sld [smem:$0x3F99];
	s0 =	simm.s32 @p0 $0x1  }
0x13: {  	[smem:$0x3FB4] =	sst s0;
	s0 =	simm.s32 @!p1 $0x0  }
0x14: {  	s2 =	sld [smem:$0x3F98];
	s0 =	simm.s32 @p1 $0x1  }
0x15: {  	[smem:$0x3FB5] =	sst s0;
	s0 =	simm.s32 @!p2 $0x0  }
0x16: {  	s3 =	sld [smem:$0x3FDB];
	s0 =	simm.s32 @p2 $0x1  }
0x17: {  	s4 =	simm.s32 $0x1BF5;
	[smem:$0x3FB7] =	sst s0  }
0x18: {  	s0 =	sld [smem:$0x3F9A];
	_ =	swait.ge [sflag:s4], $0x0  }
0x19: {  	s7 =	sld [smem:$0x3F9B]  }
0x1a: {  	s8 =	sadd.s32 $0xFFFFE003, lr  }
0x1b: {  	s9 =	sadd.s32 $0xFFFFFEF7, lr;
	s5 =	simm.s32 $0xFFFFFFFF;
	p2 =	slt.u32 s8, $0xFFFFF086  }
0x1c: {  	p1 =	slt.u32 s9, $0xF7A;
	s5 =	simm.s32 @!p2 $0x0  }
0x1d: {  	s5 =	simm.s32 @p1 $0x1;
	p0 =	seq.s32 s7, s2  }
0x1e: {  	s7 =	smul.u32 @!p0 $0xF7A, s2;
	p2 =	seq.s32 @!p0 s5, $0x0  }
0x1f: {  	s9 =	smul.u32 $0xF7A, s1;
	s8 =	simm.s32 @!p0 $0x1BF5;
	p2 =	por !p2, p0  }
0x20: {  	[sflag:s8] =	ssyncset.s32 @!p0 $0xFFFFF086;
	s6 =	sadd.s32 @!p0 s3, s7;
	s7 =	simm.s32 @!p0 $0x108  }
0x21: {  	s3 =	sadd.s32 s3, s9;
	s6 =	sadd.s32 @!p0 $0x88, s6;
	s7 =	simm.s32 @p2 $0x1082  }
0x22: {  	[simem:s7], [sflag:s8] =	dma.local @!p0 [hbm:s6], $0xF7A  }
0x23: {  	s9 =	sor.u32 $0xD0000000, s2;
	s6 =	simm.s32 $0x108;
	_ =	swait.ge @!p0 [sflag:s8], $0x0  }
0x24: {  	s3 =	sadd.s32 $0x88, s3;
	s6 =	simm.s32 @!p1 $0x1082;
	[sflag:s4] =	ssyncset.s32 $0xFFFFF086  }
0x25: {  	[simem:s6], [sflag:s4] =	dma.local [hbm:s3], $0xF7A  }
0x26: {  	[smem:$0x3F9B] =	sst s1;
	(tag) =	ssettag s2;
	_ =	strace s9  }
0x27: {  	s1 =	sld [smem:$0x3FAB]  }
0x28: {  	s2 =	sld [smem:$0x3FAC]  }
0x29: {  	s4 =	sld [smem:$0x3FAE]  }
0x2a: {  	p0 =	seq.s32 s5, $0x0;
	s5 =	sld [smem:$0x3FAF]  }
0x2b: {  	s6 =	sld [smem:$0x3FB0]  }
0x2c: {  	s7 =	sld [smem:$0x3FB1]  }
0x2d: {  	s3 =	simm.s32 $0x108;
	s8 =	sld [smem:$0x3FB2]  }
0x2e: {  	s3 =	simm.s32 @!p0 $0x1082;
	s9 =	sld [smem:$0x3FB3]  }
0x2f: {  	lr =	sadd.s32 s0, s3;
	s0 =	sld [smem:$0x3FAA]  }
0x30: {  	s3 =	sld [smem:$0x3FAD]  }
0x31: {  	[smem:$0x3FB6] =	sst s10  }
0x32: {  	s10 =	sld [smem:$0x3FB4];
	_ =	sdelay $0x3  }
0x33: {  	p0 =	seq.s32 s10, $0x1;
	s10 =	sld [smem:$0x3FB6];
	_ =	sdelay $0x3  }
0x34: {  	[smem:$0x3FB6] =	sst s10  }
0x35: {  	s10 =	sld [smem:$0x3FB5];
	_ =	sdelay $0x3  }
0x36: {  	p1 =	seq.s32 s10, $0x1;
	s10 =	sld [smem:$0x3FB6];
	_ =	sdelay $0x3  }
0x37: {  	[smem:$0x3FB6] =	sst s10  }
0x38: {  	s10 =	sld [smem:$0x3FB7]  }
0x39: {  	_ = 	snop;
	(pc) =	sbr.ind lr, $3  }
0x3a: {  	_ = 	snop  }
0x3b: {  	_ = 	snop  }
0x3c: {  	p2 =	seq.s32 s10, $0x1;
	s10 =	sld [smem:$0x3FB6]  }
0x3d: {  	_ =	shalt  }
0x3e: {  	_ =	shalt  }
0x3f: {  	_ =	shalt  }
0x40: {  	_ =	shalt  }
0x41: {  	_ =	shalt  }
0x42: {  	_ =	shalt  }
0x43: {  	_ =	shalt  }
0x44: {  	_ =	shalt  }
0x45: {  	_ =	shalt  }
0x46: {  	_ =	shalt  }
0x47: {  	_ =	shalt  }
0x48: {  	_ =	shalt  }
0x49: {  	_ =	shalt  }
0x4a: {  	_ =	shalt  }
0x4b: {  	_ =	shalt  }
0x4c: {  	_ =	shalt  }
0x4d: {  	_ =	shalt  }
0x4e: {  	_ =	shalt  }
0x4f: {  	_ =	shalt  }
0x50: {  	_ =	shalt  }
0x51: {  	_ =	shalt  }
0x52: {  	_ =	shalt  }
0x53: {  	_ =	shalt  }
0x54: {  	_ =	shalt  }
0x55: {  	_ =	shalt  }
0x56: {  	_ =	shalt  }
0x57: {  	_ =	shalt  }
0x58: {  	_ =	shalt  }
0x59: {  	_ =	shalt  }
0x5a: {  	_ =	shalt  }
0x5b: {  	_ =	shalt  }
0x5c: {  	_ =	shalt  }
0x5d: {  	_ =	shalt  }
0x5e: {  	_ =	shalt  }
0x5f: {  	_ =	shalt  }
0x60: {  	_ =	shalt  }
0x61: {  	_ =	shalt  }
0x62: {  	_ =	shalt  }
0x63: {  	_ =	shalt  }
0x64: {  	_ =	shalt  }
0x65: {  	_ =	shalt  }
0x66: {  	_ =	shalt  }
0x67: {  	_ =	shalt  }
0x68: {  	_ =	shalt  }
0x69: {  	_ =	shalt  }
0x6a: {  	_ =	shalt  }
0x6b: {  	_ =	shalt  }
0x6c: {  	_ =	shalt  }
0x6d: {  	_ =	shalt  }
0x6e: {  	_ =	shalt  }
0x6f: {  	_ =	shalt  }
0x70: {  	_ =	shalt  }
0x71: {  	_ =	shalt  }
0x72: {  	_ =	shalt  }
0x73: {  	_ =	shalt  }
0x74: {  	_ =	shalt  }
0x75: {  	_ =	shalt  }
0x76: {  	_ =	shalt  }
0x77: {  	_ =	shalt  }
0x78: {  	_ =	shalt  }
0x79: {  	_ =	shalt  }
0x7a: {  	_ =	shalt  }
0x7b: {  	_ =	shalt  }
0x7c: {  	_ =	shalt  }
0x7d: {  	_ =	shalt  }
0x7e: {  	_ =	shalt  }
0x7f: {  	_ =	shalt  }
0x80: {  	_ =	shalt  }
0x81: {  	_ =	shalt  }
0x82: {  	_ =	shalt  }
0x83: {  	_ =	shalt  }
0x84: {  	_ =	shalt  }
0x85: {  	_ =	shalt  }
0x86: {  	_ =	shalt  }
0x87: {  	_ =	shalt  }
.Lfunc_end0:
.L_simem_size_0:
called_computation.1_lowered:
.L_overlay_start_0:
0x88: {  	s2 =	sld [smem:$0x3FD9]  }
0x89: {  	s3 =	sld [smem:$0x3FFE];
	_ =	sdelay $0x1  }
0x8a: {  	s1 =	srdreg.scid  }
0x8b: {  	s0 =	sand.u32 $0x1, s1  }
0x8c: {  	s16 =	sshll.u32 s0, $0xA;
	s2 =	sadd.s32 s3, s2  }
0x8d: {  	s2 =	sadd.s32 s2, s16  }
0x8e: {  	[smem:$0x3FC2] =	sst s2  }
0x8f: {  	_ = 	snop  }
0x90: {  	(tm) =	ssettm $0x1  }
0x91: {  	s17 =	sld [smem:$0x3FFB];
	_ =	sdelay $0x3  }
0x92: {  	_ =	strace s17  }
0x93: {  	s2 =	sld [smem:$0x3FFC];
	_ =	sdelay $0x3  }
0x94: {  	_ =	strace s2  }
0x95: {  	s2 =	sld [smem:$0x3FFD];
	_ =	sdelay $0x3  }
0x96: {  	_ =	strace s2  }
0x97: {  	_ =	strace $0x8FFFFFFF  }
0x98: {  	s18 =	sld [smem:$0x3FDB];
	_ =	sdelay $0x1  }
0x99: {  	s19 =	simm.s32 $_scs_section_size  }
0x9a: {  	s4 =	simm.s32 $_size__tile_overlayer_lowered;
	s5 =	simm.s32 $_tile_overlayer_lowered  }
0x9b: {  	s22 =	simm.s32 $0x1BFF;
	s21 =	sshll.u32 s5, $0x1;
	s2 =	sadd.s32 s19, s18  }
0x9c: {  	s6 =	simm.s32 $0x0;
	s20 =	sshll.u32 s4, $0x1;
	s4 =	sadd.s32 s21, s2  }
0x9d: {  	[timem:s6], [sflag:s22] =	dma.local [hbm:s4], s20  }
0x9e: {  	_ =	swait.ge [sflag:s22], s20  }
0x9f: {  	s3 =	ssub.s32 $0x0, s20;
	[sflag:s22] =	ssyncset.done $0x0  }
0xa0: {  	[sflag:s22] =	ssyncadd.s32 s3;
	_ =	sdelay $0x1  }
0xa1: {  	s23 =	simm.s32 $0x1B8B  }
0xa2: {  	_ =	swait.ge [sflag:s23], $0x1  }
0xa3: {  	[sflag:s23] =	ssyncset.done $0x0  }
0xa4: {  	s25 =	simm.s32 $0x1B8E;
	s24 =	sld [smem:$0x3FFE];
	[sflag:s23] =	ssyncadd.s32 $0xFFFFFFFF  }
0xa5: {  	s26 =	simm.s32 $execute0_lowered;
	[smem:$0x3FD2] =	sst s25  }
0xa6: {  	s4 =	sshll.u32 s26, $0x1;
	_ =	strace $0x80000049;
	[dreg:$0x1] =	wrdreg $0xFFFFFFFF  }
0xa7: {  	s28 =	simm.s32 $_size_execute0_lowered;
	s2 =	sadd.s32 s2, s4;
	[dreg:$0x0] =	wrdreg $0x0  }
0xa8: {  	s4 =	sshll.u32 s28, $0x1;
	[dreg:$0x2] =	wrdreg s2  }
0xa9: {  	[dreg:$0x3] =	wrdreg s4  }
0xaa: {  	[dreg:$0x4] =	wrdreg $0xC0  }
0xab: {  	_ =	task [dreg:s6], $0x5FFFF  }
0xac: {  	[dreg:$0x1] =	wrdreg $0xFFFFFFFF  }
0xad: {  	[dreg:$0x0] =	wrdreg $0x60  }
0xae: {  	[dreg:$0x2] =	wrdreg s24  }
0xaf: {  	[dreg:$0x3] =	wrdreg $0x110000  }
0xb0: {  	[dreg:$0x4] =	wrdreg $0x9  }
0xb1: {  	_ =	task.clear_ibuf [dreg:s6], $0x5FFFF;
	_ =	strace $0x90000049  }
0xb2: {  	s29 =	simm.s32 $0x9;
	_ =	strace $0x8000004B  }
0xb3: {  	_ =	swait.ge [sflag:s29], $0x1  }
0xb4: {  	[sflag:s29] =	ssyncadd.s32 $0xFFFFFFFF  }
0xb5: {  	_ =	strace $0x9000004B  }
0xb6: {  	_ =	sfence  }
0xb7: {  	s30 =	sld [smem:$0x0];
	_ =	sdelay $0x2  }
0xb8: {  	s31 =	sshll.u32 s1, $0xD;
	s1 =	sshrl.u32 s1, $0x2  }
0xb9: {  	s3 =	sand.u32 $0x4000, s31;
	s1 =	sadd.s32 s1, s30  }
0xba: {  	s0 =	sor.u32 s3, s0;
	s1 =	sshll.u32 s1, $0x11  }
0xbb: {  	s0 =	sor.u32 s1, s0  }
0xbc: {  	s0 =	sadd.s32 $0x8F2B, s0  }
0xbd: {  	[sflag:s0] =	ssyncadd.remote.s32 $0x1  }
0xbe: {  	_ =	sfence.sel $0xFFFF  }
0xbf: {  	[dreg:$0x0] =	wrdreg $0xFFFFFFFF;
	(pc) =	sbr.abs _section_cstart, $3  }
0xc0: {  	[dreg:$0x1] =	wrdreg $0xFFFFFFFF  }
0xc1: {  	_ =	task.clear_ibuf [dreg:s6], $0x2FFFF;
	_ =	strace $0x9FFFFFFF  }
0xc2: {  	(tm) =	ssettm $0x7FFFFFFF  }
0xc3: {  	_ =	shalt  }
tec
execute0_lowered:
.L_overlay_start_1:
0x0: {  	(tag) =	ssettag $0x1  }
0x1: {  	s0 =	rddreg [dreg:$0x0]  }
0x2: {  	s2 =	rddreg [dreg:$0x1]  }
0x3: {  	s3 =	simm.s32 $0x0;
	s12 =	stileid.u32;
	s1 =	srdreg.scid  }
0x4: {  	s16 =	simm.s32 $0x100;
	s17 =	simm.s32 $0x9000;
	s18 =	simm.s32 $0xD000  }
0x5: {  	s19 =	simm.s32 $0x1;
	s20 =	simm.s32 $0x2;
	s21 =	simm.s32 $0x3  }
0x6: {  	s22 =	simm.s32 $0x4;
	s23 =	simm.s32 $0x0;
	[smem:$0x7FF] =	sst s3  }
0x7: {  	s4 =	smul.u32 $0x48, s12;
	s1 =	sand.u32 $0x1, s1;
	s5 =	sshll.u32 s12, $0x3  }
0x8: {  	s8 =	smul.u32 $0x9E00, s12;
	s31 =	sshll.u32 s12, $0x6;
	s12 =	simm.s32 $0x5  }
0x9: {  	p0 =	seq.s32 s1, $0x0;
	s5 =	sor.u32 $0x480, s5;
	s6 =	smul.u32 $0x9E000, s1  }
0xa: {  	_ =	strace $0x8000004A;
	s1 =	ssub.s32 $0x2, s1;
	s14 =	sor.u32 $0x1C05, s31  }
0xb: {  	s5 =	smov.u32 @p0 s4;
	s4 =	sadd.s32 $0x20800, s0;
	s30 =	sshrl.u32 s1, $0x1  }
0xc: {  	s13 =	sadd.s32 s8, s2;
	s5 =	sshll.u32 s5, $0x5;
	s6 =	sadd.s32 s8, s6  }
0xd: {  	s1 =	ssub.s32 s1, s30;
	s8 =	sshrl.u32 s8, $0x3;
	s15 =	sshrl.u32 s13, $0x3  }
0xe: {  	s7 =	sadd.s32 s5, s0;
	s29 =	sshrl.u32 s6, $0x3;
	s5 =	simm.s32 $0x48  }
0xf: {  	s8 =	sadd.s32 s4, s8;
	s10 =	smax.u32 s1, $0x1;
	s5 =	simm.s32 @!p0 $0x8  }
0x10: {  	s0 =	sadd.s32 s29, s0;
	s6 =	sadd.s32 $0x16000, s7;
	s11 =	sshrl.u32 s5, $0x1  }
0x11: {  	s7 =	sadd.s32 $0xB800, s7;
	s9 =	sadd.s32 $0x34400, s0;
	s11 =	sadd.s32 $0xFFFFFFFF, s11  }
.LBB2_1:
0x12: {  	[tilespmem:s3], [sflag:$0x5] =	stream.linear.gather [hbm4b:s6+s3], $0x4800, $0x38;
	[tilespmem:$0x1AE00] =	vst v63  }
0x13: {  	_ =	swait.ge [sflag:s12], $0x4800  }
0x14: {  	[sflag:s12] =	ssyncset.done $0x0  }
0x15: {  	s0 =	simm.s32 $0x4800;
	[sflag:s12] =	ssyncadd.s32 $0xFFFFB800  }
0x16: {  	[tilespmem:s0], [sflag:$0x5] =	stream.linear.gather [hbm4b:s7+s3], $0x4800, $0x38;
	[tilespmem:$0x1AE00] =	vst v63  }
0x17: {  	_ =	swait.ge [sflag:s12], $0x4800  }
0x18: {  	[sflag:s12] =	ssyncset.done $0x0  }
0x19: {  	[sflag:s12] =	ssyncadd.s32 $0xFFFFB800  }
0x1a: {  	[spmem:s15], [sflag:s14] =	dma.local [hbm:s8], $0x13C0  }
0x1b: {  	_ =	swait.ge [sflag:s12], $0x13C0  }
0x1c: {  	[sflag:s12] =	ssyncset.done $0x0  }
0x1d: {  	[sflag:s12] =	ssyncadd.s32 $0xFFFFEC40  }
0x1e: {  	[bflag:$0x0] =	sbarrier.arrive $0xFFFF  }
0x1f: {  	[tilespmem:s17], [sflag:$0x1] =	stream.indirect.gather [hbm4b:s4+s16], $0x40, s3, s16, $0xb8;
	[tilespmem:$0x1AE00] =	vst v63  }
0x20: {  	_ = 	snop  }
0x21: {  	[tilespmem:s18], [sflag:$0x2] =	stream.indirect.gather [hbm4b:s4+s16], $0x40, s16, s16, $0xb8;
	[tilespmem:$0x1AE00] =	vst v63  }
0x22: {  	_ =	swait.ge [sflag:s19], $0x4000  }
0x23: {  	[sflag:s19] =	ssyncset.done $0x0  }
0x24: {  	s26 =	simm.s32 $0x4800;
	[sflag:s19] =	ssyncadd.s32 $0xFFFFC000  }
0x25: {  	[spmem:s2] =	stream.indirect.scatter.add.f32 [tilespmem:s17], [sflag:$0x3], $0x40, s26, s16, $0xb8;
	[tilespmem:$0x1AE00] =	vst v63  }
0x26: {  	p0 =	sle.u32 s5, $0x2;
	_ =	swait.ge [sflag:s20], $0x4000  }
0x27: {  	s25 =	simm.s32 $0x4900;
	s24 =	simm.s32 $0x200;
	[sflag:s20] =	ssyncset.done $0x0  }
0x28: {  	s30 =	sadd.s32 $0xFFFFFFFF, s11;
	s0 =	simm.s32 @!p0 $0x3;
	[sflag:s20] =	ssyncadd.s32 $0xFFFFC000  }
0x29: {  	[spmem:s2] =	stream.indirect.scatter.add.f32 [tilespmem:s18], [sflag:$0x4], $0x40, s25, s16, $0xb8;
	[tilespmem:$0x1AE00] =	vst v63  }
0x2a: {  	s28 =	simm.s32 $0x4;
	p1 =	sne.s32 s30, $0x0;
	_ =	swait.ge @!p0 [sflag:s0], $0x4000  }
.Ltmp0:
0x2b: {  	s1 =	simm.s32 @!p0 $0x9000;
	[sflag:s0] =	ssyncset.done @!p0 $0x0;
	(pc) =	sbr.rel @!p1 .LBB2_3-.Ltmp0, $4  }
0x2c: {  	s31 =	simm.s32 @!p0 $0x100;
	[sflag:s0] =	ssyncadd.s32 @!p0 $0xFFFFC000;
	s0 =	simm.s32 @!p0 $0x4  }
0x2d: {  	[tilespmem:s1], [sflag:$0x1] =	stream.indirect.gather @!p0 [hbm4b:s4+s31], $0x40, s24, s31, $0xb8;
	[tilespmem:$0x1AE00] =	vst v63  }
0x2e: {  	s29 =	simm.s32 $0x4B00;
	s13 =	simm.s32 @!p0 $0xD000;
	_ =	swait.ge @!p0 [sflag:s0], $0x4000  }
0x2f: {  	s26 =	simm.s32 $0x200;
	s1 =	simm.s32 @!p0 $0x300;
	[sflag:s0] =	ssyncset.done @!p0 $0x0  }
.LBB2_2:
0x30: {  	s26 =	smov.u32 s24;
	s25 =	smov.u32 s29  }
0x31: {  	s30 =	sadd.s32 $0xFFFFFFFF, s30;
	s24 =	sadd.s32 $0x200, s24;
	[sflag:s0] =	ssyncadd.s32 @!p0 $0xFFFFC000  }
0x32: {  	[tilespmem:s13], [sflag:$0x2] =	stream.indirect.gather @!p0 [hbm4b:s4+s31], $0x40, s1, s31, $0xb8;
	[tilespmem:$0x1AE00] =	vst v63  }
0x33: {  	p1 =	sne.s32 s30, $0x0;
	_ =	swait.ge [sflag:s19], $0x4000  }
0x34: {  	s0 =	sadd.s32 $0xFFFFFF00, s29;
	[sflag:s19] =	ssyncset.done $0x0  }
0x35: {  	[sflag:s19] =	ssyncadd.s32 $0xFFFFC000  }
0x36: {  	[spmem:s2] =	stream.indirect.scatter.add.f32 [tilespmem:s17], [sflag:$0x3], $0x40, s0, s16, $0xb8;
	[tilespmem:$0x1AE00] =	vst v63  }
0x37: {  	_ =	swait.ge [sflag:s20], $0x4000  }
0x38: {  	p0 =	sge.u32 s28, s5;
	[sflag:s20] =	ssyncset.done $0x0  }
0x39: {  	s0 =	simm.s32 @!p0 $0x3;
	[sflag:s20] =	ssyncadd.s32 $0xFFFFC000  }
0x3a: {  	[spmem:s2] =	stream.indirect.scatter.add.f32 [tilespmem:s18], [sflag:$0x4], $0x40, s29, s16, $0xb8;
	[tilespmem:$0x1AE00] =	vst v63  }
0x3b: {  	s1 =	simm.s32 @!p0 $0x9000;
	_ =	swait.ge @!p0 [sflag:s0], $0x4000  }
.Ltmp1:
0x3c: {  	s31 =	simm.s32 @!p0 $0x100;
	[sflag:s0] =	ssyncset.done @!p0 $0x0;
	(pc) =	sbr.rel @p1 .LBB2_2-.Ltmp1, $4  }
0x3d: {  	[sflag:s0] =	ssyncadd.s32 @!p0 $0xFFFFC000;
	s0 =	simm.s32 @!p0 $0x4  }
0x3e: {  	[tilespmem:s1], [sflag:$0x1] =	stream.indirect.gather @!p0 [hbm4b:s4+s31], $0x40, s24, s31, $0xb8;
	[tilespmem:$0x1AE00] =	vst v63  }
0x3f: {  	s28 =	sadd.s32 $0x2, s28;
	s29 =	sadd.s32 $0x200, s29;
	_ =	swait.ge @!p0 [sflag:s0], $0x4000  }
0x40: {  	s13 =	simm.s32 @!p0 $0xD000;
	s1 =	sadd.s32 @!p0 $0x100, s24;
	[sflag:s0] =	ssyncset.done @!p0 $0x0  }
.LBB2_3:
0x41: {  	[sflag:s0] =	ssyncadd.s32 @!p0 $0xFFFFC000  }
0x42: {  	[tilespmem:s13], [sflag:$0x2] =	stream.indirect.gather @!p0 [hbm4b:s4+s31], $0x40, s1, s31, $0xb8;
	[tilespmem:$0x1AE00] =	vst v63  }
0x43: {  	_ =	swait.ge [sflag:s19], $0x4000  }
0x44: {  	[sflag:s19] =	ssyncset.done $0x0  }
0x45: {  	s31 =	sadd.s32 $0x100, s25;
	[sflag:s19] =	ssyncadd.s32 $0xFFFFC000  }
0x46: {  	[spmem:s2] =	stream.indirect.scatter.add.f32 [tilespmem:s17], [sflag:$0x3], $0x40, s31, s16, $0xb8;
	[tilespmem:$0x1AE00] =	vst v63  }
0x47: {  	_ =	swait.ge [sflag:s20], $0x4000  }
0x48: {  	p0 =	sge.u32 s28, s5;
	[sflag:s20] =	ssyncset.done $0x0  }
0x49: {  	s0 =	simm.s32 @!p0 $0x3;
	[sflag:s20] =	ssyncadd.s32 $0xFFFFC000  }
0x4a: {  	[spmem:s2] =	stream.indirect.scatter.add.f32 [tilespmem:s18], [sflag:$0x4], $0x40, s29, s16, $0xb8;
	[tilespmem:$0x1AE00] =	vst v63  }
0x4b: {  	_ =	swait.ge @!p0 [sflag:s0], $0x4000  }
0x4c: {  	s1 =	sadd.s32 $0x200, s24;
	[sflag:s0] =	ssyncset.done @!p0 $0x0  }
0x4d: {  	s13 =	simm.s32 @!p0 $0x9000;
	[sflag:s0] =	ssyncadd.s32 @!p0 $0xFFFFC000;
	s0 =	simm.s32 @!p0 $0x100  }
0x4e: {  	[tilespmem:s13], [sflag:$0x1] =	stream.indirect.gather @!p0 [hbm4b:s4+s0], $0x40, s1, s0, $0xb8;
	[tilespmem:$0x1AE00] =	vst v63  }
0x4f: {  	s1 =	simm.s32 @!p0 $0x4  }
0x50: {  	_ =	swait.ge @!p0 [sflag:s1], $0x4000  }
0x51: {  	[sflag:s1] =	ssyncset.done @!p0 $0x0  }
0x52: {  	s13 =	simm.s32 @!p0 $0xD000;
	[sflag:s1] =	ssyncadd.s32 @!p0 $0xFFFFC000;
	s1 =	sadd.s32 @!p0 $0x300, s26  }
0x53: {  	[tilespmem:s13], [sflag:$0x2] =	stream.indirect.gather @!p0 [hbm4b:s4+s0], $0x40, s1, s0, $0xb8;
	[tilespmem:$0x1AE00] =	vst v63  }
0x54: {  	_ =	swait.ge [sflag:s21], $0x4000  }
0x55: {  	[sflag:s21] =	ssyncset.done $0x0  }
0x56: {  	[sflag:s21] =	ssyncadd.s32 $0xFFFFC000  }
0x57: {  	_ =	swait.ge [sflag:s22], $0x4000  }
0x58: {  	s23 =	sadd.s32 $0x1, s23;
	[sflag:s22] =	ssyncset.done $0x0  }
0x59: {  	p0 =	sne.s32 s23, s10;
	[sflag:s22] =	ssyncadd.s32 $0xFFFFC000  }
.Ltmp2:
0x5a: {  	[bflag:$0x0] =	sbarrier.arrive $0xFFFF;
	(pc) =	sbr.rel @p0 .LBB2_1-.Ltmp2, $4  }
0x5b: {  	[hbm:s9], [sflag:s14] =	dma.local [spmem:s15], $0x13C0  }
0x5c: {  	_ =	swait.ge [sflag:s12], $0x13C0  }
0x5d: {  	[sflag:s12] =	ssyncset.done $0x0  }
0x5e: {  	[sflag:s12] =	ssyncadd.s32 $0xFFFFEC40  }
0x5f: {  	_ =	sfence.sel $0x180000  }
0x60: {  	[bflag:$0x0] =	sbarrier.arrive $0xFFFF  }
0x61: {  	_ =	strace $0x9000004A  }
0x62: {  	s0 =	stileid.u32;
	[bflag:$0x2] =	sbarrier.arrive $0xFFFF  }
0x63: {  	p0 =	sne.s32 s0, $0x0;
	s0 =	rddreg [dreg:$0x2]  }
0x64: {  	s0 =	sadd.s32 @!p0 $0x100000, s0  }
0x65: {  	[sflag:s0] =	ssyncadd.tile.s32 @!p0 $0x1;
	_ =	shalt  }
.Lfunc_end2:
_tile_overlayer_lowered:
.L_overlay_start_2:
0x66: {  	(tag) =	ssettag $0x2  }
0x67: {  	s0 =	rddreg [dreg:$0x0];
	s2 =	stileid.u32  }
0x68: {  	s1 =	rddreg [dreg:$0x1];
	p0 =	sne.s32 s2, $0x0  }
0x69: {  	s3 =	rddreg [dreg:$0x2];
	[bflag:$0x3] =	sbarrier.arrive $0xFFFF;
	s2 =	simm.s32 @!p0 $0x1C05  }
0x6a: {  	[timem:s3], [sflag:s2] =	dma.local @!p0 [hbm:s0], s1  }
0x6b: {  	s0 =	simm.s32 @!p0 $0x5  }
0x6c: {  	_ =	swait.ge @!p0 [sflag:s0], s1  }
0x6d: {  	s1 =	ssub.s32 @!p0 $0x0, s1;
	[sflag:s0] =	ssyncset.done @!p0 $0x0  }
0x6e: {  	[sflag:s0] =	ssyncadd.s32 @!p0 s1  }
0x6f: {  	[bflag:$0x3] =	sbarrier.arrive $0xFFFF  }
0x70: {  	_ =	shalt  }

// kernel: kernel.14.cloned.1.call-start
scs
__scs_entry_jumppad:
0x0: {  	(pc) =	sbr.rel $0x88, $3  }
0x1: {  	(tag) =	ssettag $0x0;
	lr =	simm.s32 $0x1  }
0x2: {  	[smem:$0x3F9B] =	sst lr;
	_ =	strace $0xD0000000  }
0x3: {  	_ = 	snop  }
0x4: {  	_ = 	snop  }
0x5: {  	_ = 	snop  }
0x6: {  	_ = 	snop  }
0x7: {  	_ = 	snop  }
__scs_overlays_trampoline_lowered:
0x8: {  	[smem:$0x3FAA] =	sst s0  }
0x9: {  	[smem:$0x3FAB] =	sst s1  }
0xa: {  	[smem:$0x3FAC] =	sst s2  }
0xb: {  	[smem:$0x3FAD] =	sst s3  }
0xc: {  	[smem:$0x3FAE] =	sst s4  }
0xd: {  	[smem:$0x3FAF] =	sst s5  }
0xe: {  	[smem:$0x3FB0] =	sst s6  }
0xf: {  	[smem:$0x3FB1] =	sst s7  }
0x10: {  	[smem:$0x3FB2] =	sst s8  }
0x11: {  	[smem:$0x3FB3] =	sst s9;
	s0 =	simm.s32 @!p0 $0x0  }
0x12: {  	s1 =	sld [smem:$0x3F99];
	s0 =	simm.s32 @p0 $0x1  }
0x13: {  	[smem:$0x3FB4] =	sst s0;
	s0 =	simm.s32 @!p1 $0x0  }
0x14: {  	s2 =	sld [smem:$0x3F98];
	s0 =	simm.s32 @p1 $0x1  }
0x15: {  	[smem:$0x3FB5] =	sst s0;
	s0 =	simm.s32 @!p2 $0x0  }
0x16: {  	s3 =	sld [smem:$0x3FDB];
	s0 =	simm.s32 @p2 $0x1  }
0x17: {  	s4 =	simm.s32 $0x1BF5;
	[smem:$0x3FB7] =	sst s0  }
0x18: {  	s0 =	sld [smem:$0x3F9A];
	_ =	swait.ge [sflag:s4], $0x0  }
0x19: {  	s7 =	sld [smem:$0x3F9B]  }
0x1a: {  	s8 =	sadd.s32 $0xFFFFE003, lr  }
0x1b: {  	s9 =	sadd.s32 $0xFFFFFEF7, lr;
	s5 =	simm.s32 $0xFFFFFFFF;
	p2 =	slt.u32 s8, $0xFFFFF086  }
0x1c: {  	p1 =	slt.u32 s9, $0xF7A;
	s5 =	simm.s32 @!p2 $0x0  }
0x1d: {  	s5 =	simm.s32 @p1 $0x1;
	p0 =	seq.s32 s7, s2  }
0x1e: {  	s7 =	smul.u32 @!p0 $0xF7A, s2;
	p2 =	seq.s32 @!p0 s5, $0x0  }
0x1f: {  	s9 =	smul.u32 $0xF7A, s1;
	s8 =	simm.s32 @!p0 $0x1BF5;
	p2 =	por !p2, p0  }
0x20: {  	[sflag:s8] =	ssyncset.s32 @!p0 $0xFFFFF086;
	s6 =	sadd.s32 @!p0 s3, s7;
	s7 =	simm.s32 @!p0 $0x108  }
0x21: {  	s3 =	sadd.s32 s3, s9;
	s6 =	sadd.s32 @!p0 $0x88, s6;
	s7 =	simm.s32 @p2 $0x1082  }
0x22: {  	[simem:s7], [sflag:s8] =	dma.local @!p0 [hbm:s6], $0xF7A  }
0x23: {  	s9 =	sor.u32 $0xD0000000, s2;
	s6 =	simm.s32 $0x108;
	_ =	swait.ge @!p0 [sflag:s8], $0x0  }
0x24: {  	s3 =	sadd.s32 $0x88, s3;
	s6 =	simm.s32 @!p1 $0x1082;
	[sflag:s4] =	ssyncset.s32 $0xFFFFF086  }
0x25: {  	[simem:s6], [sflag:s4] =	dma.local [hbm:s3], $0xF7A  }
0x26: {  	[smem:$0x3F9B] =	sst s1;
	(tag) =	ssettag s2;
	_ =	strace s9  }
0x27: {  	s1 =	sld [smem:$0x3FAB]  }
0x28: {  	s2 =	sld [smem:$0x3FAC]  }
0x29: {  	s4 =	sld [smem:$0x3FAE]  }
0x2a: {  	p0 =	seq.s32 s5, $0x0;
	s5 =	sld [smem:$0x3FAF]  }
0x2b: {  	s6 =	sld [smem:$0x3FB0]  }
0x2c: {  	s7 =	sld [smem:$0x3FB1]  }
0x2d: {  	s3 =	simm.s32 $0x108;
	s8 =	sld [smem:$0x3FB2]  }
0x2e: {  	s3 =	simm.s32 @!p0 $0x1082;
	s9 =	sld [smem:$0x3FB3]  }
0x2f: {  	lr =	sadd.s32 s0, s3;
	s0 =	sld [smem:$0x3FAA]  }
0x30: {  	s3 =	sld [smem:$0x3FAD]  }
0x31: {  	[smem:$0x3FB6] =	sst s10  }
0x32: {  	s10 =	sld [smem:$0x3FB4];
	_ =	sdelay $0x3  }
0x33: {  	p0 =	seq.s32 s10, $0x1;
	s10 =	sld [smem:$0x3FB6];
	_ =	sdelay $0x3  }
0x34: {  	[smem:$0x3FB6] =	sst s10  }
0x35: {  	s10 =	sld [smem:$0x3FB5];
	_ =	sdelay $0x3  }
0x36: {  	p1 =	seq.s32 s10, $0x1;
	s10 =	sld [smem:$0x3FB6];
	_ =	sdelay $0x3  }
0x37: {  	[smem:$0x3FB6] =	sst s10  }
0x38: {  	s10 =	sld [smem:$0x3FB7]  }
0x39: {  	_ = 	snop;
	(pc) =	sbr.ind lr, $3  }
0x3a: {  	_ = 	snop  }
0x3b: {  	_ = 	snop  }
0x3c: {  	p2 =	seq.s32 s10, $0x1;
	s10 =	sld [smem:$0x3FB6]  }
0x3d: {  	_ =	shalt  }
0x3e: {  	_ =	shalt  }
0x3f: {  	_ =	shalt  }
0x40: {  	_ =	shalt  }
0x41: {  	_ =	shalt  }
0x42: {  	_ =	shalt  }
0x43: {  	_ =	shalt  }
0x44: {  	_ =	shalt  }
0x45: {  	_ =	shalt  }
0x46: {  	_ =	shalt  }
0x47: {  	_ =	shalt  }
0x48: {  	_ =	shalt  }
0x49: {  	_ =	shalt  }
0x4a: {  	_ =	shalt  }
0x4b: {  	_ =	shalt  }
0x4c: {  	_ =	shalt  }
0x4d: {  	_ =	shalt  }
0x4e: {  	_ =	shalt  }
0x4f: {  	_ =	shalt  }
0x50: {  	_ =	shalt  }
0x51: {  	_ =	shalt  }
0x52: {  	_ =	shalt  }
0x53: {  	_ =	shalt  }
0x54: {  	_ =	shalt  }
0x55: {  	_ =	shalt  }
0x56: {  	_ =	shalt  }
0x57: {  	_ =	shalt  }
0x58: {  	_ =	shalt  }
0x59: {  	_ =	shalt  }
0x5a: {  	_ =	shalt  }
0x5b: {  	_ =	shalt  }
0x5c: {  	_ =	shalt  }
0x5d: {  	_ =	shalt  }
0x5e: {  	_ =	shalt  }
0x5f: {  	_ =	shalt  }
0x60: {  	_ =	shalt  }
0x61: {  	_ =	shalt  }
0x62: {  	_ =	shalt  }
0x63: {  	_ =	shalt  }
0x64: {  	_ =	shalt  }
0x65: {  	_ =	shalt  }
0x66: {  	_ =	shalt  }
0x67: {  	_ =	shalt  }
0x68: {  	_ =	shalt  }
0x69: {  	_ =	shalt  }
0x6a: {  	_ =	shalt  }
0x6b: {  	_ =	shalt  }
0x6c: {  	_ =	shalt  }
0x6d: {  	_ =	shalt  }
0x6e: {  	_ =	shalt  }
0x6f: {  	_ =	shalt  }
0x70: {  	_ =	shalt  }
0x71: {  	_ =	shalt  }
0x72: {  	_ =	shalt  }
0x73: {  	_ =	shalt  }
0x74: {  	_ =	shalt  }
0x75: {  	_ =	shalt  }
0x76: {  	_ =	shalt  }
0x77: {  	_ =	shalt  }
0x78: {  	_ =	shalt  }
0x79: {  	_ =	shalt  }
0x7a: {  	_ =	shalt  }
0x7b: {  	_ =	shalt  }
0x7c: {  	_ =	shalt  }
0x7d: {  	_ =	shalt  }
0x7e: {  	_ =	shalt  }
0x7f: {  	_ =	shalt  }
0x80: {  	_ =	shalt  }
0x81: {  	_ =	shalt  }
0x82: {  	_ =	shalt  }
0x83: {  	_ =	shalt  }
0x84: {  	_ =	shalt  }
0x85: {  	_ =	shalt  }
0x86: {  	_ =	shalt  }
0x87: {  	_ =	shalt  }
.Lfunc_end0:
.L_simem_size_0:
called_computation.2_lowered:
.L_overlay_start_0:
0x88: {  	s2 =	sld [smem:$0x3FD9]  }
0x89: {  	s3 =	sld [smem:$0x3FFE];
	_ =	sdelay $0x1  }
0x8a: {  	s1 =	srdreg.scid  }
0x8b: {  	s0 =	sand.u32 $0x1, s1  }
0x8c: {  	s17 =	sshll.u32 s0, $0xA;
	s2 =	sadd.s32 s3, s2  }
0x8d: {  	s2 =	sadd.s32 s2, s17  }
0x8e: {  	[smem:$0x3FC2] =	sst s2  }
0x8f: {  	_ = 	snop  }
0x90: {  	s2 =	sld [smem:$0x3FD0];
	(tm) =	ssettm $0x1  }
0x91: {  	s18 =	sld [smem:$0x3FFB];
	_ =	sdelay $0x3  }
0x92: {  	_ =	strace s18  }
0x93: {  	s3 =	sld [smem:$0x3FFC];
	_ =	sdelay $0x3  }
0x94: {  	_ =	strace s3  }
0x95: {  	s3 =	sld [smem:$0x3FFD];
	_ =	sdelay $0x3  }
0x96: {  	_ =	strace s3  }
0x97: {  	_ =	strace $0x8FFFFFFF  }
0x98: {  	s19 =	sld [smem:$0x3FDB];
	_ =	sdelay $0x1  }
0x99: {  	s4 =	simm.s32 $_scs_section_size  }
0x9a: {  	s5 =	simm.s32 $_size__tile_overlayer_lowered;
	s6 =	simm.s32 $_tile_overlayer_lowered  }
0x9b: {  	s22 =	simm.s32 $0x1BFF;
	s21 =	sshll.u32 s6, $0x1;
	s3 =	sadd.s32 s4, s19  }
0x9c: {  	s7 =	simm.s32 $0x0;
	s20 =	sshll.u32 s5, $0x1;
	s5 =	sadd.s32 s21, s3  }
0x9d: {  	[timem:s7], [sflag:s22] =	dma.local [hbm:s5], s20  }
0x9e: {  	_ =	swait.ge [sflag:s22], s20  }
0x9f: {  	s4 =	ssub.s32 $0x0, s20;
	[sflag:s22] =	ssyncset.done $0x0  }
0xa0: {  	[sflag:s22] =	ssyncadd.s32 s4;
	_ =	sdelay $0x1  }
0xa1: {  	s23 =	simm.s32 $0x1B8B  }
0xa2: {  	_ =	swait.ge [sflag:s23], $0x1  }
0xa3: {  	[sflag:s23] =	ssyncset.done $0x0  }
0xa4: {  	s25 =	simm.s32 $0x1B8E;
	s24 =	sld [smem:$0x3FFE];
	[sflag:s23] =	ssyncadd.s32 $0xFFFFFFFF  }
0xa5: {  	s26 =	simm.s32 $execute0_lowered;
	[smem:$0x3FD2] =	sst s25  }
0xa6: {  	s5 =	sshll.u32 s26, $0x1;
	_ =	strace $0x8000004C;
	[dreg:$0x1] =	wrdreg $0xFFFFFFFF  }
0xa7: {  	s28 =	simm.s32 $_size_execute0_lowered;
	s3 =	sadd.s32 s3, s5;
	[dreg:$0x0] =	wrdreg $0x0  }
0xa8: {  	s5 =	sshll.u32 s28, $0x1;
	[dreg:$0x2] =	wrdreg s3  }
0xa9: {  	[dreg:$0x3] =	wrdreg s5  }
0xaa: {  	[dreg:$0x4] =	wrdreg $0xC0  }
0xab: {  	_ =	task [dreg:s7], $0x5FFFF  }
0xac: {  	[dreg:$0x1] =	wrdreg $0xFFFFFFFF  }
0xad: {  	[dreg:$0x0] =	wrdreg $0x60  }
0xae: {  	[dreg:$0x2] =	wrdreg s2  }
0xaf: {  	[dreg:$0x3] =	wrdreg s24  }
0xb0: {  	[dreg:$0x4] =	wrdreg $0xE0000  }
0xb1: {  	[dreg:$0x5] =	wrdreg $0x9  }
0xb2: {  	_ =	task.clear_ibuf [dreg:s7], $0x6FFFF;
	_ =	strace $0x9000004C  }
0xb3: {  	s29 =	simm.s32 $0x9;
	_ =	strace $0x8000004E  }
0xb4: {  	_ =	swait.ge [sflag:s29], $0x1  }
0xb5: {  	[sflag:s29] =	ssyncadd.s32 $0xFFFFFFFF  }
0xb6: {  	_ =	strace $0x9000004E  }
0xb7: {  	_ =	sfence  }
0xb8: {  	s30 =	sld [smem:$0x0];
	_ =	sdelay $0x2  }
0xb9: {  	s31 =	sshll.u32 s1, $0xD;
	s1 =	sshrl.u32 s1, $0x2  }
0xba: {  	s3 =	sand.u32 $0x4000, s31;
	s1 =	sadd.s32 s1, s30  }
0xbb: {  	s0 =	sor.u32 s3, s0;
	s1 =	sshll.u32 s1, $0x11  }
0xbc: {  	s0 =	sor.u32 s1, s0  }
0xbd: {  	s0 =	sadd.s32 $0x8F2B, s0  }
0xbe: {  	[sflag:s0] =	ssyncadd.remote.s32 $0x1  }
0xbf: {  	_ =	sfence.sel $0xFFFF  }
0xc0: {  	[dreg:$0x0] =	wrdreg $0xFFFFFFFF;
	(pc) =	sbr.abs _section_cstart, $3  }
0xc1: {  	[dreg:$0x1] =	wrdreg $0xFFFFFFFF  }
0xc2: {  	_ =	task.clear_ibuf [dreg:s7], $0x2FFFF;
	_ =	strace $0x9FFFFFFF  }
0xc3: {  	(tm) =	ssettm $0x7FFFFFFF  }
tec
execute0_lowered:
.L_overlay_start_1:
0x0: {  	(tag) =	ssettag $0x1  }
0x1: {  	s2 =	rddreg [dreg:$0x0]  }
0x2: {  	s0 =	rddreg [dreg:$0x1]  }
0x3: {  	s3 =	rddreg [dreg:$0x2];
	s12 =	stileid.u32;
	s4 =	simm.s32 $0x0  }
0x4: {  	s1 =	srdreg.scid;
	s16 =	simm.s32 $0x100;
	s17 =	simm.s32 $0x9000  }
0x5: {  	s18 =	simm.s32 $0xB800;
	s19 =	simm.s32 $0x1;
	s20 =	simm.s32 $0x2  }
0x6: {  	s21 =	simm.s32 $0x3;
	s22 =	simm.s32 $0x4;
	s23 =	simm.s32 $0x0  }
0x7: {  	s5 =	smul.u32 $0x48, s12;
	s1 =	sand.u32 $0x1, s1;
	s6 =	sshll.u32 s12, $0x3  }
0x8: {  	s8 =	smul.u32 $0x62C0, s12;
	[smem:$0x7FF] =	sst s4;
	s31 =	sshll.u32 s12, $0x6  }
0x9: {  	s12 =	simm.s32 $0x5;
	p0 =	seq.s32 s1, $0x0;
	s6 =	sor.u32 $0x480, s6  }
0xa: {  	s7 =	smul.u32 $0x62C00, s1;
	_ =	strace $0x8000004D;
	s1 =	ssub.s32 $0x2, s1  }
0xb: {  	s14 =	sor.u32 $0x1C05, s31;
	s6 =	smov.u32 @p0 s5;
	s30 =	sshrl.u32 s1, $0x1  }
0xc: {  	s13 =	sadd.s32 s8, s3;
	s5 =	sshll.u32 s6, $0x5;
	s26 =	sadd.s32 s8, s7  }
0xd: {  	s1 =	ssub.s32 s1, s30;
	s8 =	sshrl.u32 s8, $0x3;
	s15 =	sshrl.u32 s13, $0x3  }
0xe: {  	s28 =	sadd.s32 s5, s0;
	s29 =	sshrl.u32 s26, $0x3;
	s5 =	simm.s32 $0x48  }
0xf: {  	s8 =	sadd.s32 s2, s8;
	s10 =	smax.u32 s1, $0x1;
	s5 =	simm.s32 @!p0 $0x8  }
0x10: {  	s0 =	sadd.s32 s29, s0;
	s6 =	sadd.s32 $0x16000, s28;
	s11 =	sshrl.u32 s5, $0x1  }
0x11: {  	s7 =	sadd.s32 $0xB800, s28;
	s9 =	sadd.s32 $0x20800, s0;
	s11 =	sadd.s32 $0xFFFFFFFF, s11  }
.LBB2_1:
0x12: {  	[tilespmem:s4], [sflag:$0x5] =	stream.linear.gather [hbm4b:s6+s4], $0x4800, $0x38;
	[tilespmem:$0x142C0] =	vst v63  }
0x13: {  	_ =	swait.ge [sflag:s12], $0x4800  }
0x14: {  	[sflag:s12] =	ssyncset.done $0x0  }
0x15: {  	s0 =	simm.s32 $0x4800;
	[sflag:s12] =	ssyncadd.s32 $0xFFFFB800  }
0x16: {  	[tilespmem:s0], [sflag:$0x5] =	stream.linear.gather [hbm4b:s7+s4], $0x4800, $0x38;
	[tilespmem:$0x142C0] =	vst v63  }
0x17: {  	_ =	swait.ge [sflag:s12], $0x4800  }
0x18: {  	[sflag:s12] =	ssyncset.done $0x0  }
0x19: {  	[sflag:s12] =	ssyncadd.s32 $0xFFFFB800  }
0x1a: {  	[spmem:s15], [sflag:s14] =	dma.local [hbm:s8], $0xC58  }
0x1b: {  	_ =	swait.ge [sflag:s12], $0xC58  }
0x1c: {  	[sflag:s12] =	ssyncset.done $0x0  }
0x1d: {  	[sflag:s12] =	ssyncadd.s32 $0xFFFFF3A8  }
0x1e: {  	[bflag:$0x0] =	sbarrier.arrive $0xFFFF  }
0x1f: {  	[tilespmem:s17], [sflag:$0x1] =	stream.indirect.gather [hbm4b:s2+s16], $0x28, s4, s16, $0xb8;
	[tilespmem:$0x142C0] =	vst v63  }
0x20: {  	_ = 	snop  }
0x21: {  	[tilespmem:s18], [sflag:$0x2] =	stream.indirect.gather [hbm4b:s2+s16], $0x28, s16, s16, $0xb8;
	[tilespmem:$0x142C0] =	vst v63  }
0x22: {  	_ =	swait.ge [sflag:s19], $0x2800  }
0x23: {  	[sflag:s19] =	ssyncset.done $0x0  }
0x24: {  	s26 =	simm.s32 $0x4800;
	[sflag:s19] =	ssyncadd.s32 $0xFFFFD800  }
0x25: {  	[spmem:s3] =	stream.indirect.scatter.add.f32 [tilespmem:s17], [sflag:$0x3], $0x28, s26, s16, $0xb8;
	[tilespmem:$0x142C0] =	vst v63  }
0x26: {  	p0 =	sle.u32 s5, $0x2;
	_ =	swait.ge [sflag:s20], $0x2800  }
0x27: {  	s25 =	simm.s32 $0x4900;
	s24 =	simm.s32 $0x200;
	[sflag:s20] =	ssyncset.done $0x0  }
0x28: {  	s30 =	sadd.s32 $0xFFFFFFFF, s11;
	s0 =	simm.s32 @!p0 $0x3;
	[sflag:s20] =	ssyncadd.s32 $0xFFFFD800  }
0x29: {  	[spmem:s3] =	stream.indirect.scatter.add.f32 [tilespmem:s18], [sflag:$0x4], $0x28, s25, s16, $0xb8;
	[tilespmem:$0x142C0] =	vst v63  }
0x2a: {  	s28 =	simm.s32 $0x4;
	p1 =	sne.s32 s30, $0x0;
	_ =	swait.ge @!p0 [sflag:s0], $0x2800  }
.Ltmp0:
0x2b: {  	s1 =	simm.s32 @!p0 $0x9000;
	[sflag:s0] =	ssyncset.done @!p0 $0x0;
	(pc) =	sbr.rel @!p1 .LBB2_3-.Ltmp0, $4  }
0x2c: {  	s31 =	simm.s32 @!p0 $0x100;
	[sflag:s0] =	ssyncadd.s32 @!p0 $0xFFFFD800;
	s0 =	simm.s32 @!p0 $0x4  }
0x2d: {  	[tilespmem:s1], [sflag:$0x1] =	stream.indirect.gather @!p0 [hbm4b:s2+s31], $0x28, s24, s31, $0xb8;
	[tilespmem:$0x142C0] =	vst v63  }
0x2e: {  	s29 =	simm.s32 $0x4B00;
	s13 =	simm.s32 @!p0 $0xB800;
	_ =	swait.ge @!p0 [sflag:s0], $0x2800  }
0x2f: {  	s26 =	simm.s32 $0x200;
	s1 =	simm.s32 @!p0 $0x300;
	[sflag:s0] =	ssyncset.done @!p0 $0x0  }
.LBB2_2:
0x30: {  	s26 =	smov.u32 s24;
	s25 =	smov.u32 s29  }
0x31: {  	s30 =	sadd.s32 $0xFFFFFFFF, s30;
	s24 =	sadd.s32 $0x200, s24;
	[sflag:s0] =	ssyncadd.s32 @!p0 $0xFFFFD800  }
0x32: {  	[tilespmem:s13], [sflag:$0x2] =	stream.indirect.gather @!p0 [hbm4b:s2+s31], $0x28, s1, s31, $0xb8;
	[tilespmem:$0x142C0] =	vst v63  }
0x33: {  	p1 =	sne.s32 s30, $0x0;
	_ =	swait.ge [sflag:s19], $0x2800  }
0x34: {  	s0 =	sadd.s32 $0xFFFFFF00, s29;
	[sflag:s19] =	ssyncset.done $0x0  }
0x35: {  	[sflag:s19] =	ssyncadd.s32 $0xFFFFD800  }
0x36: {  	[spmem:s3] =	stream.indirect.scatter.add.f32 [tilespmem:s17], [sflag:$0x3], $0x28, s0, s16, $0xb8;
	[tilespmem:$0x142C0] =	vst v63  }
0x37: {  	_ =	swait.ge [sflag:s20], $0x2800  }
0x38: {  	p0 =	sge.u32 s28, s5;
	[sflag:s20] =	ssyncset.done $0x0  }
0x39: {  	s0 =	simm.s32 @!p0 $0x3;
	[sflag:s20] =	ssyncadd.s32 $0xFFFFD800  }
0x3a: {  	[spmem:s3] =	stream.indirect.scatter.add.f32 [tilespmem:s18], [sflag:$0x4], $0x28, s29, s16, $0xb8;
	[tilespmem:$0x142C0] =	vst v63  }
0x3b: {  	s1 =	simm.s32 @!p0 $0x9000;
	_ =	swait.ge @!p0 [sflag:s0], $0x2800  }
.Ltmp1:
0x3c: {  	s31 =	simm.s32 @!p0 $0x100;
	[sflag:s0] =	ssyncset.done @!p0 $0x0;
	(pc) =	sbr.rel @p1 .LBB2_2-.Ltmp1, $4  }
0x3d: {  	[sflag:s0] =	ssyncadd.s32 @!p0 $0xFFFFD800;
	s0 =	simm.s32 @!p0 $0x4  }
0x3e: {  	[tilespmem:s1], [sflag:$0x1] =	stream.indirect.gather @!p0 [hbm4b:s2+s31], $0x28, s24, s31, $0xb8;
	[tilespmem:$0x142C0] =	vst v63  }
0x3f: {  	s28 =	sadd.s32 $0x2, s28;
	s29 =	sadd.s32 $0x200, s29;
	_ =	swait.ge @!p0 [sflag:s0], $0x2800  }
0x40: {  	s13 =	simm.s32 @!p0 $0xB800;
	s1 =	sadd.s32 @!p0 $0x100, s24;
	[sflag:s0] =	ssyncset.done @!p0 $0x0  }
.LBB2_3:
0x41: {  	[sflag:s0] =	ssyncadd.s32 @!p0 $0xFFFFD800  }
0x42: {  	[tilespmem:s13], [sflag:$0x2] =	stream.indirect.gather @!p0 [hbm4b:s2+s31], $0x28, s1, s31, $0xb8;
	[tilespmem:$0x142C0] =	vst v63  }
0x43: {  	_ =	swait.ge [sflag:s19], $0x2800  }
0x44: {  	[sflag:s19] =	ssyncset.done $0x0  }
0x45: {  	s31 =	sadd.s32 $0x100, s25;
	[sflag:s19] =	ssyncadd.s32 $0xFFFFD800  }
0x46: {  	[spmem:s3] =	stream.indirect.scatter.add.f32 [tilespmem:s17], [sflag:$0x3], $0x28, s31, s16, $0xb8;
	[tilespmem:$0x142C0] =	vst v63  }
0x47: {  	_ =	swait.ge [sflag:s20], $0x2800  }
0x48: {  	p0 =	sge.u32 s28, s5;
	[sflag:s20] =	ssyncset.done $0x0  }
0x49: {  	s0 =	simm.s32 @!p0 $0x3;
	[sflag:s20] =	ssyncadd.s32 $0xFFFFD800  }
0x4a: {  	[spmem:s3] =	stream.indirect.scatter.add.f32 [tilespmem:s18], [sflag:$0x4], $0x28, s29, s16, $0xb8;
	[tilespmem:$0x142C0] =	vst v63  }
0x4b: {  	_ =	swait.ge @!p0 [sflag:s0], $0x2800  }
0x4c: {  	s1 =	sadd.s32 $0x200, s24;
	[sflag:s0] =	ssyncset.done @!p0 $0x0  }
0x4d: {  	s13 =	simm.s32 @!p0 $0x9000;
	[sflag:s0] =	ssyncadd.s32 @!p0 $0xFFFFD800;
	s0 =	simm.s32 @!p0 $0x100  }
0x4e: {  	[tilespmem:s13], [sflag:$0x1] =	stream.indirect.gather @!p0 [hbm4b:s2+s0], $0x28, s1, s0, $0xb8;
	[tilespmem:$0x142C0] =	vst v63  }
0x4f: {  	s1 =	simm.s32 @!p0 $0x4  }
0x50: {  	_ =	swait.ge @!p0 [sflag:s1], $0x2800  }
0x51: {  	[sflag:s1] =	ssyncset.done @!p0 $0x0  }
0x52: {  	s13 =	simm.s32 @!p0 $0xB800;
	[sflag:s1] =	ssyncadd.s32 @!p0 $0xFFFFD800;
	s1 =	sadd.s32 @!p0 $0x300, s26  }
0x53: {  	[tilespmem:s13], [sflag:$0x2] =	stream.indirect.gather @!p0 [hbm4b:s2+s0], $0x28, s1, s0, $0xb8;
	[tilespmem:$0x142C0] =	vst v63  }
0x54: {  	_ =	swait.ge [sflag:s21], $0x2800  }
0x55: {  	[sflag:s21] =	ssyncset.done $0x0  }
0x56: {  	[sflag:s21] =	ssyncadd.s32 $0xFFFFD800  }
0x57: {  	_ =	swait.ge [sflag:s22], $0x2800  }
0x58: {  	s23 =	sadd.s32 $0x1, s23;
	[sflag:s22] =	ssyncset.done $0x0  }
0x59: {  	p0 =	sne.s32 s23, s10;
	[sflag:s22] =	ssyncadd.s32 $0xFFFFD800  }
.Ltmp2:
0x5a: {  	[bflag:$0x0] =	sbarrier.arrive $0xFFFF;
	(pc) =	sbr.rel @p0 .LBB2_1-.Ltmp2, $4  }
0x5b: {  	[hbm:s9], [sflag:s14] =	dma.local [spmem:s15], $0xC58  }
0x5c: {  	_ =	swait.ge [sflag:s12], $0xC58  }
0x5d: {  	[sflag:s12] =	ssyncset.done $0x0  }
0x5e: {  	[sflag:s12] =	ssyncadd.s32 $0xFFFFF3A8  }
0x5f: {  	_ =	sfence.sel $0x180000  }
0x60: {  	[bflag:$0x0] =	sbarrier.arrive $0xFFFF  }
0x61: {  	_ =	strace $0x9000004D  }
0x62: {  	s0 =	stileid.u32;
	[bflag:$0x2] =	sbarrier.arrive $0xFFFF  }
0x63: {  	p0 =	sne.s32 s0, $0x0;
	s0 =	rddreg [dreg:$0x3]  }
0x64: {  	s0 =	sadd.s32 @!p0 $0x100000, s0  }
0x65: {  	[sflag:s0] =	ssyncadd.tile.s32 @!p0 $0x1;
	_ =	shalt  }
.Lfunc_end2:
_tile_overlayer_lowered:
.L_overlay_start_2:
0x66: {  	(tag) =	ssettag $0x2  }
0x67: {  	s0 =	rddreg [dreg:$0x0];
	s2 =	stileid.u32  }
0x68: {  	s1 =	rddreg [dreg:$0x1];
	p0 =	sne.s32 s2, $0x0  }
0x69: {  	s3 =	rddreg [dreg:$0x2];
	[bflag:$0x3] =	sbarrier.arrive $0xFFFF;
	s2 =	simm.s32 @!p0 $0x1C05  }
0x6a: {  	[timem:s3], [sflag:s2] =	dma.local @!p0 [hbm:s0], s1  }
0x6b: {  	s0 =	simm.s32 @!p0 $0x5  }
0x6c: {  	_ =	swait.ge @!p0 [sflag:s0], s1  }
0x6d: {  	s1 =	ssub.s32 @!p0 $0x0, s1;
	[sflag:s0] =	ssyncset.done @!p0 $0x0  }
0x6e: {  	[sflag:s0] =	ssyncadd.s32 @!p0 s1  }
0x6f: {  	[bflag:$0x3] =	sbarrier.arrive $0xFFFF  }
0x70: {  	_ =	shalt  }

// kernel: kernel.8.cloned.1.call-start
scs
__scs_entry_jumppad:
0x0: {  	(pc) =	sbr.rel $0x88, $3  }
0x1: {  	(tag) =	ssettag $0x0;
	lr =	simm.s32 $0x1  }
0x2: {  	[smem:$0x3F9B] =	sst lr;
	_ =	strace $0xD0000000  }
0x3: {  	_ = 	snop  }
0x4: {  	_ = 	snop  }
0x5: {  	_ = 	snop  }
0x6: {  	_ = 	snop  }
0x7: {  	_ = 	snop  }
__scs_overlays_trampoline_lowered:
0x8: {  	[smem:$0x3FAA] =	sst s0  }
0x9: {  	[smem:$0x3FAB] =	sst s1  }
0xa: {  	[smem:$0x3FAC] =	sst s2  }
0xb: {  	[smem:$0x3FAD] =	sst s3  }
0xc: {  	[smem:$0x3FAE] =	sst s4  }
0xd: {  	[smem:$0x3FAF] =	sst s5  }
0xe: {  	[smem:$0x3FB0] =	sst s6  }
0xf: {  	[smem:$0x3FB1] =	sst s7  }
0x10: {  	[smem:$0x3FB2] =	sst s8  }
0x11: {  	[smem:$0x3FB3] =	sst s9;
	s0 =	simm.s32 @!p0 $0x0  }
0x12: {  	s1 =	sld [smem:$0x3F99];
	s0 =	simm.s32 @p0 $0x1  }
0x13: {  	[smem:$0x3FB4] =	sst s0;
	s0 =	simm.s32 @!p1 $0x0  }
0x14: {  	s2 =	sld [smem:$0x3F98];
	s0 =	simm.s32 @p1 $0x1  }
0x15: {  	[smem:$0x3FB5] =	sst s0;
	s0 =	simm.s32 @!p2 $0x0  }
0x16: {  	s3 =	sld [smem:$0x3FDB];
	s0 =	simm.s32 @p2 $0x1  }
0x17: {  	s4 =	simm.s32 $0x1BF5;
	[smem:$0x3FB7] =	sst s0  }
0x18: {  	s0 =	sld [smem:$0x3F9A];
	_ =	swait.ge [sflag:s4], $0x0  }
0x19: {  	s7 =	sld [smem:$0x3F9B]  }
0x1a: {  	s8 =	sadd.s32 $0xFFFFE003, lr  }
0x1b: {  	s9 =	sadd.s32 $0xFFFFFEF7, lr;
	s5 =	simm.s32 $0xFFFFFFFF;
	p2 =	slt.u32 s8, $0xFFFFF086  }
0x1c: {  	p1 =	slt.u32 s9, $0xF7A;
	s5 =	simm.s32 @!p2 $0x0  }
0x1d: {  	s5 =	simm.s32 @p1 $0x1;
	p0 =	seq.s32 s7, s2  }
0x1e: {  	s7 =	smul.u32 @!p0 $0xF7A, s2;
	p2 =	seq.s32 @!p0 s5, $0x0  }
0x1f: {  	s9 =	smul.u32 $0xF7A, s1;
	s8 =	simm.s32 @!p0 $0x1BF5;
	p2 =	por !p2, p0  }
0x20: {  	[sflag:s8] =	ssyncset.s32 @!p0 $0xFFFFF086;
	s6 =	sadd.s32 @!p0 s3, s7;
	s7 =	simm.s32 @!p0 $0x108  }
0x21: {  	s3 =	sadd.s32 s3, s9;
	s6 =	sadd.s32 @!p0 $0x88, s6;
	s7 =	simm.s32 @p2 $0x1082  }
0x22: {  	[simem:s7], [sflag:s8] =	dma.local @!p0 [hbm:s6], $0xF7A  }
0x23: {  	s9 =	sor.u32 $0xD0000000, s2;
	s6 =	simm.s32 $0x108;
	_ =	swait.ge @!p0 [sflag:s8], $0x0  }
0x24: {  	s3 =	sadd.s32 $0x88, s3;
	s6 =	simm.s32 @!p1 $0x1082;
	[sflag:s4] =	ssyncset.s32 $0xFFFFF086  }
0x25: {  	[simem:s6], [sflag:s4] =	dma.local [hbm:s3], $0xF7A  }
0x26: {  	[smem:$0x3F9B] =	sst s1;
	(tag) =	ssettag s2;
	_ =	strace s9  }
0x27: {  	s1 =	sld [smem:$0x3FAB]  }
0x28: {  	s2 =	sld [smem:$0x3FAC]  }
0x29: {  	s4 =	sld [smem:$0x3FAE]  }
0x2a: {  	p0 =	seq.s32 s5, $0x0;
	s5 =	sld [smem:$0x3FAF]  }
0x2b: {  	s6 =	sld [smem:$0x3FB0]  }
0x2c: {  	s7 =	sld [smem:$0x3FB1]  }
0x2d: {  	s3 =	simm.s32 $0x108;
	s8 =	sld [smem:$0x3FB2]  }
0x2e: {  	s3 =	simm.s32 @!p0 $0x1082;
	s9 =	sld [smem:$0x3FB3]  }
0x2f: {  	lr =	sadd.s32 s0, s3;
	s0 =	sld [smem:$0x3FAA]  }
0x30: {  	s3 =	sld [smem:$0x3FAD]  }
0x31: {  	[smem:$0x3FB6] =	sst s10  }
0x32: {  	s10 =	sld [smem:$0x3FB4];
	_ =	sdelay $0x3  }
0x33: {  	p0 =	seq.s32 s10, $0x1;
	s10 =	sld [smem:$0x3FB6];
	_ =	sdelay $0x3  }
0x34: {  	[smem:$0x3FB6] =	sst s10  }
0x35: {  	s10 =	sld [smem:$0x3FB5];
	_ =	sdelay $0x3  }
0x36: {  	p1 =	seq.s32 s10, $0x1;
	s10 =	sld [smem:$0x3FB6];
	_ =	sdelay $0x3  }
0x37: {  	[smem:$0x3FB6] =	sst s10  }
0x38: {  	s10 =	sld [smem:$0x3FB7]  }
0x39: {  	_ = 	snop;
	(pc) =	sbr.ind lr, $3  }
0x3a: {  	_ = 	snop  }
0x3b: {  	_ = 	snop  }
0x3c: {  	p2 =	seq.s32 s10, $0x1;
	s10 =	sld [smem:$0x3FB6]  }
0x3d: {  	_ =	shalt  }
0x3e: {  	_ =	shalt  }
0x3f: {  	_ =	shalt  }
0x40: {  	_ =	shalt  }
0x41: {  	_ =	shalt  }
0x42: {  	_ =	shalt  }
0x43: {  	_ =	shalt  }
0x44: {  	_ =	shalt  }
0x45: {  	_ =	shalt  }
0x46: {  	_ =	shalt  }
0x47: {  	_ =	shalt  }
0x48: {  	_ =	shalt  }
0x49: {  	_ =	shalt  }
0x4a: {  	_ =	shalt  }
0x4b: {  	_ =	shalt  }
0x4c: {  	_ =	shalt  }
0x4d: {  	_ =	shalt  }
0x4e: {  	_ =	shalt  }
0x4f: {  	_ =	shalt  }
0x50: {  	_ =	shalt  }
0x51: {  	_ =	shalt  }
0x52: {  	_ =	shalt  }
0x53: {  	_ =	shalt  }
0x54: {  	_ =	shalt  }
0x55: {  	_ =	shalt  }
0x56: {  	_ =	shalt  }
0x57: {  	_ =	shalt  }
0x58: {  	_ =	shalt  }
0x59: {  	_ =	shalt  }
0x5a: {  	_ =	shalt  }
0x5b: {  	_ =	shalt  }
0x5c: {  	_ =	shalt  }
0x5d: {  	_ =	shalt  }
0x5e: {  	_ =	shalt  }
0x5f: {  	_ =	shalt  }
0x60: {  	_ =	shalt  }
0x61: {  	_ =	shalt  }
0x62: {  	_ =	shalt  }
0x63: {  	_ =	shalt  }
0x64: {  	_ =	shalt  }
0x65: {  	_ =	shalt  }
0x66: {  	_ =	shalt  }
0x67: {  	_ =	shalt  }
0x68: {  	_ =	shalt  }
0x69: {  	_ =	shalt  }
0x6a: {  	_ =	shalt  }
0x6b: {  	_ =	shalt  }
0x6c: {  	_ =	shalt  }
0x6d: {  	_ =	shalt  }
0x6e: {  	_ =	shalt  }
0x6f: {  	_ =	shalt  }
0x70: {  	_ =	shalt  }
0x71: {  	_ =	shalt  }
0x72: {  	_ =	shalt  }
0x73: {  	_ =	shalt  }
0x74: {  	_ =	shalt  }
0x75: {  	_ =	shalt  }
0x76: {  	_ =	shalt  }
0x77: {  	_ =	shalt  }
0x78: {  	_ =	shalt  }
0x79: {  	_ =	shalt  }
0x7a: {  	_ =	shalt  }
0x7b: {  	_ =	shalt  }
0x7c: {  	_ =	shalt  }
0x7d: {  	_ =	shalt  }
0x7e: {  	_ =	shalt  }
0x7f: {  	_ =	shalt  }
0x80: {  	_ =	shalt  }
0x81: {  	_ =	shalt  }
0x82: {  	_ =	shalt  }
0x83: {  	_ =	shalt  }
0x84: {  	_ =	shalt  }
0x85: {  	_ =	shalt  }
0x86: {  	_ =	shalt  }
0x87: {  	_ =	shalt  }
.Lfunc_end0:
.L_simem_size_0:
called_computation_lowered:
.L_overlay_start_0:
0x88: {  	s2 =	sld [smem:$0x3FD9]  }
0x89: {  	s3 =	sld [smem:$0x3FFE];
	_ =	sdelay $0x1  }
0x8a: {  	s1 =	srdreg.scid  }
0x8b: {  	s0 =	sand.u32 $0x1, s1  }
0x8c: {  	s17 =	sshll.u32 s0, $0xA;
	s2 =	sadd.s32 s3, s2  }
0x8d: {  	s2 =	sadd.s32 s2, s17  }
0x8e: {  	[smem:$0x3FC2] =	sst s2  }
0x8f: {  	_ = 	snop  }
0x90: {  	s2 =	sld [smem:$0x3FD0];
	(tm) =	ssettm $0x1  }
0x91: {  	s18 =	sld [smem:$0x3FFB];
	_ =	sdelay $0x3  }
0x92: {  	_ =	strace s18  }
0x93: {  	s3 =	sld [smem:$0x3FFC];
	_ =	sdelay $0x3  }
0x94: {  	_ =	strace s3  }
0x95: {  	s3 =	sld [smem:$0x3FFD];
	_ =	sdelay $0x3  }
0x96: {  	_ =	strace s3  }
0x97: {  	_ =	strace $0x8FFFFFFF  }
0x98: {  	s19 =	sld [smem:$0x3FDB];
	_ =	sdelay $0x1  }
0x99: {  	s4 =	simm.s32 $_scs_section_size  }
0x9a: {  	s5 =	simm.s32 $_size__tile_overlayer_lowered;
	s6 =	simm.s32 $_tile_overlayer_lowered  }
0x9b: {  	s22 =	simm.s32 $0x1BFF;
	s21 =	sshll.u32 s6, $0x1;
	s3 =	sadd.s32 s4, s19  }
0x9c: {  	s7 =	simm.s32 $0x0;
	s20 =	sshll.u32 s5, $0x1;
	s5 =	sadd.s32 s21, s3  }
0x9d: {  	[timem:s7], [sflag:s22] =	dma.local [hbm:s5], s20  }
0x9e: {  	_ =	swait.ge [sflag:s22], s20  }
0x9f: {  	s4 =	ssub.s32 $0x0, s20;
	[sflag:s22] =	ssyncset.done $0x0  }
0xa0: {  	[sflag:s22] =	ssyncadd.s32 s4;
	_ =	sdelay $0x1  }
0xa1: {  	s23 =	simm.s32 $0x1B8B  }
0xa2: {  	_ =	swait.ge [sflag:s23], $0x1  }
0xa3: {  	[sflag:s23] =	ssyncset.done $0x0  }
0xa4: {  	s25 =	simm.s32 $0x1B8E;
	s24 =	sld [smem:$0x3FFE];
	[sflag:s23] =	ssyncadd.s32 $0xFFFFFFFF  }
0xa5: {  	s26 =	simm.s32 $execute0_lowered;
	[smem:$0x3FD2] =	sst s25  }
0xa6: {  	s5 =	sshll.u32 s26, $0x1;
	_ =	strace $0x80000046;
	[dreg:$0x1] =	wrdreg $0xFFFFFFFF  }
0xa7: {  	s28 =	simm.s32 $_size_execute0_lowered;
	s3 =	sadd.s32 s3, s5;
	[dreg:$0x0] =	wrdreg $0x0  }
0xa8: {  	s5 =	sshll.u32 s28, $0x1;
	[dreg:$0x2] =	wrdreg s3  }
0xa9: {  	[dreg:$0x3] =	wrdreg s5  }
0xaa: {  	[dreg:$0x4] =	wrdreg $0xC0  }
0xab: {  	_ =	task [dreg:s7], $0x5FFFF  }
0xac: {  	[dreg:$0x1] =	wrdreg $0xFFFFFFFF  }
0xad: {  	[dreg:$0x0] =	wrdreg $0x60  }
0xae: {  	[dreg:$0x2] =	wrdreg s24  }
0xaf: {  	[dreg:$0x3] =	wrdreg s2  }
0xb0: {  	[dreg:$0x4] =	wrdreg $0x9  }
0xb1: {  	_ =	task.clear_ibuf [dreg:s7], $0x5FFFF;
	_ =	strace $0x90000046  }
0xb2: {  	s29 =	simm.s32 $0x9;
	_ =	strace $0x80000048  }
0xb3: {  	_ =	swait.ge [sflag:s29], $0x1  }
0xb4: {  	[sflag:s29] =	ssyncadd.s32 $0xFFFFFFFF  }
0xb5: {  	_ =	strace $0x90000048  }
0xb6: {  	_ =	sfence  }
0xb7: {  	s30 =	sld [smem:$0x0];
	_ =	sdelay $0x2  }
0xb8: {  	s31 =	sshll.u32 s1, $0xD;
	s1 =	sshrl.u32 s1, $0x2  }
0xb9: {  	s3 =	sand.u32 $0x4000, s31;
	s1 =	sadd.s32 s1, s30  }
0xba: {  	s0 =	sor.u32 s3, s0;
	s1 =	sshll.u32 s1, $0x11  }
0xbb: {  	s0 =	sor.u32 s1, s0  }
0xbc: {  	s0 =	sadd.s32 $0x8F2B, s0  }
0xbd: {  	[sflag:s0] =	ssyncadd.remote.s32 $0x1  }
0xbe: {  	_ =	sfence.sel $0xFFFF  }
0xbf: {  	[dreg:$0x0] =	wrdreg $0xFFFFFFFF;
	(pc) =	sbr.abs _section_cstart, $3  }
0xc0: {  	[dreg:$0x1] =	wrdreg $0xFFFFFFFF  }
0xc1: {  	_ =	task.clear_ibuf [dreg:s7], $0x2FFFF;
	_ =	strace $0x9FFFFFFF  }
0xc2: {  	(tm) =	ssettm $0x7FFFFFFF  }
0xc3: {  	_ =	shalt  }
tec
execute0_lowered:
.L_overlay_start_1:
0x0: {  	(tag) =	ssettag $0x1  }
0x1: {  	s3 =	rddreg [dreg:$0x0]  }
0x2: {  	s1 =	srdreg.scid;
	s0 =	stileid.u32  }
0x3: {  	s4 =	rddreg [dreg:$0x1];
	s9 =	simm.s32 $0x400;
	s10 =	simm.s32 $0x0  }
0x4: {  	s5 =	sand.u32 $0x1, s1;
	s2 =	sshll.u32 s0, $0x1;
	s1 =	rddreg [dreg:$0x2]  }
0x5: {  	s7 =	sshrl.u32 s0, $0x2;
	s6 =	sor.u32 s5, s2;
	s2 =	simm.s32 $0x0  }
0x6: {  	s7 =	smul.u32 $0x13C00, s7;
	s5 =	ssub.s32 $0x2, s5;
	s8 =	sshll.u32 s6, $0x7  }
0x7: {  	[smem:$0x7FF] =	sst s2;
	s6 =	smul.u32 $0x4E2, s6;
	s31 =	sshrl.u32 s5, $0x1  }
0x8: {  	s8 =	sand.u32 $0x380, s8;
	_ =	strace $0x80000047;
	s5 =	ssub.s32 s5, s31  }
0x9: {  	s7 =	sor.u32 s7, s8;
	s3 =	sadd.s32 s6, s3;
	s5 =	smax.u32 s5, $0x1  }
0xa: {  	s6 =	simm.s32 $0x1;
	s8 =	simm.s32 $0x80;
	s7 =	sshrl.u32 s7, $0x3  }
0xb: {  	v0 =	vimm.f32 $0.0e+00;
	v1 =	vimm.f32 $1.000000000e+00;
	s3 =	sadd.s32 $0x1A00, s3;
	s4 =	sadd.s32 s4, s7;
	s7 =	simm.s32 $0x2780  }
.LBB2_1:
0xc: {  	[tilespmem:s2], [sflag:$0x1] =	stream.linear.gather [hbm4b:s3+s2], $0x2710, $0x38;
	[tilespmem:$0x4F00] =	vst v63  }
0xd: {  	_ =	swait.ge [sflag:s6], $0x2710  }
0xe: {  	[sflag:s6] =	ssyncset.done $0x0  }
0xf: {  	s11 =	simm.s32 $0x0;
	[sflag:s6] =	ssyncadd.s32 $0xFFFFD8F0  }
.LBB2_2:
0x10: {  	p0 =	sne.s32 s11, $0x9C00  }
.Ltmp0:
0x11: {  	_ = 	snop;
	(pc) =	sbr.rel @p0 .LBB2_2-.Ltmp0, $3  }
0x12: {  	_ =	sdelay $0x1  }
0x13: {  	s12 =	sshra.s32 s11, $0x2  }
0x14: {  	s11 =	sadd.s32 $0x40, s11;
	[tilespmem:s12+$0x2780] =	vst v0  }
0x15: {  	s12 =	simm.s32 $0x0;
	s11 =	simm.s32 $0x40  }
.LBB2_4:
0x16: {  	p0 =	sne.s32 s11, $0x9C00;
	v2 =	vld [tilespmem:s12+$0x0];
	_ =	sdelay $0x3  }
.Ltmp1:
0x17: {  	(pc) =	sbr.rel @p0 .LBB2_4-.Ltmp1, $2  }
0x18: {  	_ =	sdelay $0x2  }
0x19: {  	s12 =	sshra.s32 s11, $0x2;
	s11 =	sadd.s32 $0x40, s11;
	[tilespmem:v2+s7+$0x0] =	vst.idx.add.f32.msk $0xffff, v1  }
0x1a: {  	v2 =	vld [tilespmem:s12+$0x0];
	_ =	sdelay $0x5  }
0x1b: {  	s10 =	sadd.s32 $0x1, s10  }
0x1c: {  	p0 =	sne.s32 s10, s5  }
.Ltmp2:
0x1d: {  	[tilespmem:v2+s7+$0x0] =	vst.idx.add.f32.msk $0xffff, v1;
	(pc) =	sbr.rel @p0 .LBB2_1-.Ltmp2, $4  }
0x1e: {  	[hbm4b:s4+s8] =	stream.strided.scatter [tilespmem:s7], [sflag:$0x1], $0x2780, s9, s8, $0x38;
	[tilespmem:$0x4F00] =	vst v63  }
0x1f: {  	_ =	swait.ge [sflag:s6], $0x2780  }
0x20: {  	[sflag:s6] =	ssyncset.done $0x0  }
0x21: {  	[sflag:s6] =	ssyncadd.s32 $0xFFFFD880  }
0x22: {  	_ =	sfence.sel $0x180000  }
0x23: {  	[bflag:$0x0] =	sbarrier.arrive $0xFFFF  }
0x24: {  	p0 =	sne.s32 s0, $0x0;
	_ =	strace $0x90000047  }
0x25: {  	s0 =	sadd.s32 @!p0 $0x100000, s1;
	[bflag:$0x2] =	sbarrier.arrive $0xFFFF  }
0x26: {  	[sflag:s0] =	ssyncadd.tile.s32 @!p0 $0x1;
	_ =	shalt  }
.Lfunc_end2:
_tile_overlayer_lowered:
.L_overlay_start_2:
0x27: {  	(tag) =	ssettag $0x2  }
0x28: {  	s0 =	rddreg [dreg:$0x0];
	s2 =	stileid.u32  }
0x29: {  	s1 =	rddreg [dreg:$0x1];
	p0 =	sne.s32 s2, $0x0  }
0x2a: {  	s3 =	rddreg [dreg:$0x2];
	[bflag:$0x3] =	sbarrier.arrive $0xFFFF;
	s2 =	simm.s32 @!p0 $0x1C01  }
0x2b: {  	[timem:s3], [sflag:s2] =	dma.local @!p0 [hbm:s0], s1  }
0x2c: {  	s0 =	simm.s32 @!p0 $0x1  }
0x2d: {  	_ =	swait.ge @!p0 [sflag:s0], s1  }
0x2e: {  	s1 =	ssub.s32 @!p0 $0x0, s1;
	[sflag:s0] =	ssyncset.done @!p0 $0x0  }
0x2f: {  	[sflag:s0] =	ssyncadd.s32 @!p0 s1  }
0x30: {  	[bflag:$0x3] =	sbarrier.arrive $0xFFFF  }
0x31: {  	_ =	shalt  }

</sc_bundles>
